<compile_context>
chip_gen: v7x
topology: tpu7x:2x2x1
jax: 0.10.2.dev20260603
libtpu: 0.0.44.dev20260713+nightly
codegen_flags: <defaults>
</compile_context>

<pallas_src>
import functools

import jax
import jax.numpy as jnp
from jax import lax
from jax.experimental import pallas as pl
from jax.experimental.pallas import tpu as pltpu
from jax.experimental.pallas import tpu_sc as plsc

D_MODEL = 64
_INFO = plsc.get_sparse_core_info()
_NC, _NS = _INFO.num_cores, _INFO.num_subcores
_NW = _NC * _NS

_CHUNK = 512
_SUB = 128
_NSUB = _CHUNK // _SUB


def _emb_call(total_rows):
    n_per_w = total_rows // _NW
    n_chunks = n_per_w // _CHUNK
    n_pairs = n_chunks // 2
    mesh = plsc.VectorSubcoreMesh(core_axis_name="c", subcore_axis_name="s")

    @functools.partial(
        pl.kernel,
        out_type=jax.ShapeDtypeStruct((total_rows, 128), jnp.float32),
        mesh=mesh,
        scratch_types=[
            pltpu.VMEM((_NSUB, _SUB), jnp.int32),
            pltpu.VMEM((_NSUB, _SUB), jnp.int32),
            pltpu.VMEM((_CHUNK, D_MODEL), jnp.float32),
            pltpu.VMEM((_CHUNK, D_MODEL), jnp.float32),
            pltpu.SemaphoreType.DMA,
            pltpu.SemaphoreType.DMA,
            pltpu.SemaphoreType.DMA,
            pltpu.SemaphoreType.DMA,
            pltpu.SemaphoreType.DMA,
            pltpu.SemaphoreType.DMA,
        ],
        compiler_params=pltpu.CompilerParams(use_tc_tiling_on_sc=False),
    )
    def emb(w_hbm, x_hbm, out_hbm, idx0, idx1, rows0, rows1,
            isem0, isem1, gsem0, gsem1, osem0, osem1):
        wid = lax.axis_index("s") * _NC + lax.axis_index("c")
        base = wid * (n_per_w // _SUB)
        bufs = ((idx0, rows0, isem0, gsem0, osem0),
                (idx1, rows1, isem1, gsem1, osem1))

        for b in (0, 1):
            idxv, _, isem, _, _ = bufs[b]
            pltpu.async_copy(x_hbm.at[pl.ds(base + b * _NSUB, _NSUB)],
                             idxv, isem)

        def pair(p, carry):
            for b in (0, 1):
                idxv, rowsv, isem, gsem, osem = bufs[b]
                i = 2 * p + b
                g = base + i * _NSUB

                @pl.when(p > 0)
                def _():
                    pltpu.make_async_copy(
                        rowsv, out_hbm.at[pl.ds((g - 2 * _NSUB) * _SUB,
                                                _CHUNK),
                                          pl.ds(0, D_MODEL)], osem).wait()

                pltpu.make_async_copy(
                    x_hbm.at[pl.ds(g, _NSUB)], idxv, isem).wait()

                for j in range(_NSUB):
                    pltpu.async_copy(w_hbm.at[idxv.at[j]],
                                     rowsv.at[pl.ds(j * _SUB, _SUB)], gsem)
                for j in range(_NSUB):
                    pltpu.make_async_copy(
                        w_hbm.at[idxv.at[j]],
                        rowsv.at[pl.ds(j * _SUB, _SUB)], gsem).wait()

                g_next = base + lax.rem(i + 2, n_chunks) * _NSUB
                pltpu.async_copy(x_hbm.at[pl.ds(g_next, _NSUB)], idxv, isem)

                pltpu.async_copy(rowsv,
                                 out_hbm.at[pl.ds(g * _SUB, _CHUNK),
                                            pl.ds(0, D_MODEL)], osem)
            return carry

        lax.fori_loop(0, n_pairs, pair, 0)

        for b in (0, 1):
            idxv, rowsv, isem, _, osem = bufs[b]
            i = n_chunks - 2 + b
            g = base + i * _NSUB
            pltpu.make_async_copy(
                rowsv, out_hbm.at[pl.ds(g * _SUB, _CHUNK),
                                  pl.ds(0, D_MODEL)], osem).wait()
            pltpu.make_async_copy(
                x_hbm.at[pl.ds(base + b * _NSUB, _NSUB)], idxv, isem).wait()

    return emb


def kernel(x, weight):
    b, s = x.shape
    total = b * s
    x2 = x.reshape(total // _SUB, _SUB).astype(jnp.int32)
    out = _emb_call(total)(weight, x2)
    return out.reshape(b, s, 128)[:, :, :D_MODEL]

# --- scband reference (transcript-rebuilt; emitter-appended) ---
"""Pipeline reference for scband-token-embedding-63694365000270 (READ-ONLY COPY).

The authoritative reference and input builder live on the scoring server;
editing this copy changes nothing except your own understanding.
"""

import jax, jax.numpy as jnp
import numpy as np

VOCAB_SIZE = 1000000
D_MODEL = 64
BATCH = 4096
SEQ_LEN = 200

def setup_inputs(seed: int = 0) -> dict:
    key = jax.random.key(seed)
    k_idx, k_w = jax.random.split(key)
    x = jax.random.randint(k_idx, (BATCH, SEQ_LEN), 0, VOCAB_SIZE, dtype=jnp.int64 if jax.config.jax_enable_x64 else jnp.int32)
    weight = jax.random.normal(k_w, (VOCAB_SIZE, D_MODEL), dtype=jnp.float32)
    return {"x": x, "weight": weight}

def reference(x, weight):
    # nn.Embedding forward: gather rows of the embedding table by token id.
    # Output shape: (batch, seq_len, d_model)
    embeddings = jnp.take(weight, x, axis=0)
    return embeddings

if __name__ == "__main__":
    import jax
    _d = setup_inputs()
    print(jax.jit(kernel)(*tuple(_d.values())))

</pallas_src>

<mosaic_0001>
#map = affine_map<(d0, d1) -> (0, 0)>
module attributes {stable_mosaic.version = 14 : i64} {
  func.func @emb(%arg0: i32, %arg1: i32, %arg2: memref<1000000x64xf32, #tpu.memory_space<hbm>>, %arg3: memref<6400x128xi32, #tpu.memory_space<hbm>>, %arg4: memref<819200x128xf32, #tpu.memory_space<hbm>>, %arg5: memref<4x128xi32, #tpu.memory_space<vmem>>, %arg6: memref<4x128xi32, #tpu.memory_space<vmem>>, %arg7: memref<512x64xf32, #tpu.memory_space<vmem>>, %arg8: memref<512x64xf32, #tpu.memory_space<vmem>>, %arg9: memref<!tpu.dma_semaphore, #tpu.memory_space<semaphore_mem>>, %arg10: memref<!tpu.dma_semaphore, #tpu.memory_space<semaphore_mem>>, %arg11: memref<!tpu.dma_semaphore, #tpu.memory_space<semaphore_mem>>, %arg12: memref<!tpu.dma_semaphore, #tpu.memory_space<semaphore_mem>>, %arg13: memref<!tpu.dma_semaphore, #tpu.memory_space<semaphore_mem>>, %arg14: memref<!tpu.dma_semaphore, #tpu.memory_space<semaphore_mem>>) attributes {dimension_semantics = [#tpu.dimension_semantics<core_parallel>, #tpu.dimension_semantics<subcore_parallel>], iteration_bounds = array<i64: 2, 16>, scalar_prefetch = 0 : i64, scratch_operands = 10 : i64, tpu.core_type = #tpu.core_type<sc_vector_subcore>, window_params = [{transform_indices = #map}, {transform_indices = #map}, {transform_indices = #map}]} {
    %mul3A = arith.constant 2 : i32
    %mul3A_0 = arith.muli %arg1, %mul3A : i32
    %add3A = arith.addi %mul3A_0, %arg0 : i32
    %mul3A_1 = arith.constant 200 : i32
    %mul3A_2 = arith.muli %add3A, %mul3A_1 : i32
    %add3A_3 = arith.constant 0 : i32
    %add3A_4 = arith.addi %mul3A_2, %add3A_3 : i32
    %dma_start3A = arith.constant 0 : i32
    %dma_start3A_5 = tpu.memref_slice %arg3[%add3A_4, %dma_start3A] : memref<6400x128xi32, #tpu.memory_space<hbm>> -> memref<4x128xi32, #tpu.memory_space<hbm>>
    %dma_start3A_6 = arith.constant 0 : i32
    %dma_start3A_7 = tpu.memref_slice %arg3[%add3A_4, %dma_start3A_6] : memref<6400x128xi32, #tpu.memory_space<hbm>> -> memref<4x128xi32, #tpu.memory_space<hbm>>
    tpu.enqueue_dma source(%dma_start3A_7 : memref<4x128xi32, #tpu.memory_space<hbm>>) target(%arg5 : memref<4x128xi32, #tpu.memory_space<vmem>>) target_semaphore(%arg9 : memref<!tpu.dma_semaphore, #tpu.memory_space<semaphore_mem>>)
    %add3A_8 = arith.constant 4 : i32
    %add3A_9 = arith.addi %mul3A_2, %add3A_8 : i32
    %dma_start3A_10 = arith.constant 0 : i32
    %dma_start3A_11 = tpu.memref_slice %arg3[%add3A_9, %dma_start3A_10] : memref<6400x128xi32, #tpu.memory_space<hbm>> -> memref<4x128xi32, #tpu.memory_space<hbm>>
    %dma_start3A_12 = arith.constant 0 : i32
    %dma_start3A_13 = tpu.memref_slice %arg3[%add3A_9, %dma_start3A_12] : memref<6400x128xi32, #tpu.memory_space<hbm>> -> memref<4x128xi32, #tpu.memory_space<hbm>>
    tpu.enqueue_dma source(%dma_start3A_13 : memref<4x128xi32, #tpu.memory_space<hbm>>) target(%arg6 : memref<4x128xi32, #tpu.memory_space<vmem>>) target_semaphore(%arg10 : memref<!tpu.dma_semaphore, #tpu.memory_space<semaphore_mem>>)
    %scan3A = arith.constant 0 : i32
    %scan3A_14 = arith.constant 0 : i32
    %scan3A_15 = arith.constant 25 : i32
    %scan3A_16 = arith.addi %scan3A_14, %scan3A_15 : i32
    %scan3A_17 = arith.constant 1 : i32
    scf.for %scan3A_46 = %scan3A_14 to %scan3A_16 step %scan3A_17  : i32 {
      %mul3A_47 = arith.constant 2 : i32
      %mul3A_48 = arith.muli %mul3A_47, %scan3A_46 : i32
      %add3A_49 = arith.constant 0 : i32
      %add3A_50 = arith.addi %mul3A_48, %add3A_49 : i32
      %mul3A_51 = arith.constant 4 : i32
      %mul3A_52 = arith.muli %add3A_50, %mul3A_51 : i32
      %add3A_53 = arith.addi %mul3A_2, %mul3A_52 : i32
      %gt3A = arith.constant 0 : i32
      %gt3A_54 = arith.cmpi sgt, %scan3A_46, %gt3A : i32
      %convert_element_type3A = arith.extui %gt3A_54 : i1 to i32
      %cond3A = arith.constant 0 : i32
      %cond3A_55 = arith.cmpi ne, %convert_element_type3A, %cond3A : i32
      scf.if %cond3A_55 {
        %sub3A = arith.constant 8 : i32
        %sub3A_269 = arith.subi %add3A_53, %sub3A : i32
        %mul3A_270 = arith.constant 128 : i32
        %mul3A_271 = arith.muli %sub3A_269, %mul3A_270 : i32
        %dma_wait3A_272 = arith.constant 0 : i32
        %dma_wait3A_273 = tpu.memref_slice %arg4[%mul3A_271, %dma_wait3A_272] : memref<819200x128xf32, #tpu.memory_space<hbm>> -> memref<512x64xf32, #tpu.memory_space<hbm>>
        %dma_wait3A_274 = arith.constant 0 : i32
        %dma_wait3A_275 = tpu.memref_slice %arg4[%mul3A_271, %dma_wait3A_274] : memref<819200x128xf32, #tpu.memory_space<hbm>> -> memref<512x64xf32, #tpu.memory_space<hbm>>
        tpu.wait_dma2 semaphore(%arg13 : memref<!tpu.dma_semaphore, #tpu.memory_space<semaphore_mem>>) src(%arg7 : memref<512x64xf32, #tpu.memory_space<vmem>>) dst(%dma_wait3A_275 : memref<512x64xf32, #tpu.memory_space<hbm>>)
      } else {
      }
      %dma_wait3A_56 = arith.constant 0 : i32
      %dma_wait3A_57 = tpu.memref_slice %arg3[%add3A_53, %dma_wait3A_56] : memref<6400x128xi32, #tpu.memory_space<hbm>> -> memref<4x128xi32, #tpu.memory_space<hbm>>
      %dma_wait3A_58 = arith.constant 0 : i32
      %dma_wait3A_59 = tpu.memref_slice %arg3[%add3A_53, %dma_wait3A_58] : memref<6400x128xi32, #tpu.memory_space<hbm>> -> memref<4x128xi32, #tpu.memory_space<hbm>>
      tpu.wait_dma2 semaphore(%arg9 : memref<!tpu.dma_semaphore, #tpu.memory_space<semaphore_mem>>) src(%dma_wait3A_59 : memref<4x128xi32, #tpu.memory_space<hbm>>) dst(%arg5 : memref<4x128xi32, #tpu.memory_space<vmem>>)
      %dma_start3A_60 = arith.constant 0 : i32
      %dma_start3A_61 = arith.constant 0 : i32
      %dma_start3A_62 = arith.constant 0 : i32
      %dma_start3A_63 = tpu.memref_slice %arg7[%dma_start3A_61, %dma_start3A_62] : memref<512x64xf32, #tpu.memory_space<vmem>> -> memref<128x64xf32, #tpu.memory_space<vmem>>
      %dma_start3A_64 = arith.constant 0 : i32
      %dma_start3A_65 = tpu.memref_slice %arg5[%dma_start3A_60, %dma_start3A_64] : memref<4x128xi32, #tpu.memory_space<vmem>> -> memref<1x128xi32, #tpu.memory_space<vmem>>
      %dma_start3A_66 = tpu.memref_squeeze %dma_start3A_65 : memref<1x128xi32, #tpu.memory_space<vmem>> -> memref<128xi32, #tpu.memory_space<vmem>>
      %dma_start3A_67 = arith.constant 0 : i32
      %dma_start3A_68 = arith.constant 0 : i32
      %dma_start3A_69 = tpu.memref_slice %arg2[%dma_start3A_67, %dma_start3A_68] : memref<1000000x64xf32, #tpu.memory_space<hbm>> -> memref<1000000x64xf32, #tpu.memory_space<hbm>>
      tpu.enqueue_indirect_dma source(%dma_start3A_69 : memref<1000000x64xf32, #tpu.memory_space<hbm>>) target(%dma_start3A_63 : memref<128x64xf32, #tpu.memory_space<vmem>>) offsets(%dma_start3A_66 : memref<128xi32, #tpu.memory_space<vmem>>) semaphore(%arg11 : memref<!tpu.dma_semaphore, #tpu.memory_space<semaphore_mem>>)
      %dma_start3A_70 = arith.constant 1 : i32
      %dma_start3A_71 = arith.constant 128 : i32
      %dma_start3A_72 = arith.constant 0 : i32
      %dma_start3A_73 = tpu.memref_slice %arg7[%dma_start3A_71, %dma_start3A_72] : memref<512x64xf32, #tpu.memory_space<vmem>> -> memref<128x64xf32, #tpu.memory_space<vmem>>
      %dma_start3A_74 = arith.constant 0 : i32
      %dma_start3A_75 = tpu.memref_slice %arg5[%dma_start3A_70, %dma_start3A_74] : memref<4x128xi32, #tpu.memory_space<vmem>> -> memref<1x128xi32, #tpu.memory_space<vmem>>
      %dma_start3A_76 = tpu.memref_squeeze %dma_start3A_75 : memref<1x128xi32, #tpu.memory_space<vmem>> -> memref<128xi32, #tpu.memory_space<vmem>>
      %dma_start3A_77 = arith.constant 0 : i32
      %dma_start3A_78 = arith.constant 0 : i32
      %dma_start3A_79 = tpu.memref_slice %arg2[%dma_start3A_77, %dma_start3A_78] : memref<1000000x64xf32, #tpu.memory_space<hbm>> -> memref<1000000x64xf32, #tpu.memory_space<hbm>>
      tpu.enqueue_indirect_dma source(%dma_start3A_79 : memref<1000000x64xf32, #tpu.memory_space<hbm>>) target(%dma_start3A_73 : memref<128x64xf32, #tpu.memory_space<vmem>>) offsets(%dma_start3A_76 : memref<128xi32, #tpu.memory_space<vmem>>) semaphore(%arg11 : memref<!tpu.dma_semaphore, #tpu.memory_space<semaphore_mem>>)
      %dma_start3A_80 = arith.constant 2 : i32
      %dma_start3A_81 = arith.constant 256 : i32
      %dma_start3A_82 = arith.constant 0 : i32
      %dma_start3A_83 = tpu.memref_slice %arg7[%dma_start3A_81, %dma_start3A_82] : memref<512x64xf32, #tpu.memory_space<vmem>> -> memref<128x64xf32, #tpu.memory_space<vmem>>
      %dma_start3A_84 = arith.constant 0 : i32
      %dma_start3A_85 = tpu.memref_slice %arg5[%dma_start3A_80, %dma_start3A_84] : memref<4x128xi32, #tpu.memory_space<vmem>> -> memref<1x128xi32, #tpu.memory_space<vmem>>
      %dma_start3A_86 = tpu.memref_squeeze %dma_start3A_85 : memref<1x128xi32, #tpu.memory_space<vmem>> -> memref<128xi32, #tpu.memory_space<vmem>>
      %dma_start3A_87 = arith.constant 0 : i32
      %dma_start3A_88 = arith.constant 0 : i32
      %dma_start3A_89 = tpu.memref_slice %arg2[%dma_start3A_87, %dma_start3A_88] : memref<1000000x64xf32, #tpu.memory_space<hbm>> -> memref<1000000x64xf32, #tpu.memory_space<hbm>>
      tpu.enqueue_indirect_dma source(%dma_start3A_89 : memref<1000000x64xf32, #tpu.memory_space<hbm>>) target(%dma_start3A_83 : memref<128x64xf32, #tpu.memory_space<vmem>>) offsets(%dma_start3A_86 : memref<128xi32, #tpu.memory_space<vmem>>) semaphore(%arg11 : memref<!tpu.dma_semaphore, #tpu.memory_space<semaphore_mem>>)
      %dma_start3A_90 = arith.constant 3 : i32
      %dma_start3A_91 = arith.constant 384 : i32
      %dma_start3A_92 = arith.constant 0 : i32
      %dma_start3A_93 = tpu.memref_slice %arg7[%dma_start3A_91, %dma_start3A_92] : memref<512x64xf32, #tpu.memory_space<vmem>> -> memref<128x64xf32, #tpu.memory_space<vmem>>
      %dma_start3A_94 = arith.constant 0 : i32
      %dma_start3A_95 = tpu.memref_slice %arg5[%dma_start3A_90, %dma_start3A_94] : memref<4x128xi32, #tpu.memory_space<vmem>> -> memref<1x128xi32, #tpu.memory_space<vmem>>
      %dma_start3A_96 = tpu.memref_squeeze %dma_start3A_95 : memref<1x128xi32, #tpu.memory_space<vmem>> -> memref<128xi32, #tpu.memory_space<vmem>>
      %dma_start3A_97 = arith.constant 0 : i32
      %dma_start3A_98 = arith.constant 0 : i32
      %dma_start3A_99 = tpu.memref_slice %arg2[%dma_start3A_97, %dma_start3A_98] : memref<1000000x64xf32, #tpu.memory_space<hbm>> -> memref<1000000x64xf32, #tpu.memory_space<hbm>>
      tpu.enqueue_indirect_dma source(%dma_start3A_99 : memref<1000000x64xf32, #tpu.memory_space<hbm>>) target(%dma_start3A_93 : memref<128x64xf32, #tpu.memory_space<vmem>>) offsets(%dma_start3A_96 : memref<128xi32, #tpu.memory_space<vmem>>) semaphore(%arg11 : memref<!tpu.dma_semaphore, #tpu.memory_space<semaphore_mem>>)
      %dma_wait3A_100 = arith.constant 0 : i32
      %dma_wait3A_101 = arith.constant 0 : i32
      %dma_wait3A_102 = arith.constant 0 : i32
      %dma_wait3A_103 = tpu.memref_slice %arg7[%dma_wait3A_101, %dma_wait3A_102] : memref<512x64xf32, #tpu.memory_space<vmem>> -> memref<128x64xf32, #tpu.memory_space<vmem>>
      %dma_wait3A_104 = arith.constant 0 : i32
      %dma_wait3A_105 = tpu.memref_slice %arg5[%dma_wait3A_100, %dma_wait3A_104] : memref<4x128xi32, #tpu.memory_space<vmem>> -> memref<1x128xi32, #tpu.memory_space<vmem>>
      %dma_wait3A_106 = tpu.memref_squeeze %dma_wait3A_105 : memref<1x128xi32, #tpu.memory_space<vmem>> -> memref<128xi32, #tpu.memory_space<vmem>>
      %dma_wait3A_107 = arith.constant 0 : i32
      %dma_wait3A_108 = arith.constant 0 : i32
      %dma_wait3A_109 = tpu.memref_slice %arg2[%dma_wait3A_107, %dma_wait3A_108] : memref<1000000x64xf32, #tpu.memory_space<hbm>> -> memref<1000000x64xf32, #tpu.memory_space<hbm>>
      tpu.wait_indirect_dma semaphore(%arg11 : memref<!tpu.dma_semaphore, #tpu.memory_space<semaphore_mem>>) src(%dma_wait3A_109 : memref<1000000x64xf32, #tpu.memory_space<hbm>>) dst(%dma_wait3A_103 : memref<128x64xf32, #tpu.memory_space<vmem>>)
      %dma_wait3A_110 = arith.constant 1 : i32
      %dma_wait3A_111 = arith.constant 128 : i32
      %dma_wait3A_112 = arith.constant 0 : i32
      %dma_wait3A_113 = tpu.memref_slice %arg7[%dma_wait3A_111, %dma_wait3A_112] : memref<512x64xf32, #tpu.memory_space<vmem>> -> memref<128x64xf32, #tpu.memory_space<vmem>>
      %dma_wait3A_114 = arith.constant 0 : i32
      %dma_wait3A_115 = tpu.memref_slice %arg5[%dma_wait3A_110, %dma_wait3A_114] : memref<4x128xi32, #tpu.memory_space<vmem>> -> memref<1x128xi32, #tpu.memory_space<vmem>>
      %dma_wait3A_116 = tpu.memref_squeeze %dma_wait3A_115 : memref<1x128xi32, #tpu.memory_space<vmem>> -> memref<128xi32, #tpu.memory_space<vmem>>
      %dma_wait3A_117 = arith.constant 0 : i32
      %dma_wait3A_118 = arith.constant 0 : i32
      %dma_wait3A_119 = tpu.memref_slice %arg2[%dma_wait3A_117, %dma_wait3A_118] : memref<1000000x64xf32, #tpu.memory_space<hbm>> -> memref<1000000x64xf32, #tpu.memory_space<hbm>>
      tpu.wait_indirect_dma semaphore(%arg11 : memref<!tpu.dma_semaphore, #tpu.memory_space<semaphore_mem>>) src(%dma_wait3A_119 : memref<1000000x64xf32, #tpu.memory_space<hbm>>) dst(%dma_wait3A_113 : memref<128x64xf32, #tpu.memory_space<vmem>>)
      %dma_wait3A_120 = arith.constant 2 : i32
      %dma_wait3A_121 = arith.constant 256 : i32
      %dma_wait3A_122 = arith.constant 0 : i32
      %dma_wait3A_123 = tpu.memref_slice %arg7[%dma_wait3A_121, %dma_wait3A_122] : memref<512x64xf32, #tpu.memory_space<vmem>> -> memref<128x64xf32, #tpu.memory_space<vmem>>
      %dma_wait3A_124 = arith.constant 0 : i32
      %dma_wait3A_125 = tpu.memref_slice %arg5[%dma_wait3A_120, %dma_wait3A_124] : memref<4x128xi32, #tpu.memory_space<vmem>> -> memref<1x128xi32, #tpu.memory_space<vmem>>
      %dma_wait3A_126 = tpu.memref_squeeze %dma_wait3A_125 : memref<1x128xi32, #tpu.memory_space<vmem>> -> memref<128xi32, #tpu.memory_space<vmem>>
      %dma_wait3A_127 = arith.constant 0 : i32
      %dma_wait3A_128 = arith.constant 0 : i32
      %dma_wait3A_129 = tpu.memref_slice %arg2[%dma_wait3A_127, %dma_wait3A_128] : memref<1000000x64xf32, #tpu.memory_space<hbm>> -> memref<1000000x64xf32, #tpu.memory_space<hbm>>
      tpu.wait_indirect_dma semaphore(%arg11 : memref<!tpu.dma_semaphore, #tpu.memory_space<semaphore_mem>>) src(%dma_wait3A_129 : memref<1000000x64xf32, #tpu.memory_space<hbm>>) dst(%dma_wait3A_123 : memref<128x64xf32, #tpu.memory_space<vmem>>)
      %dma_wait3A_130 = arith.constant 3 : i32
      %dma_wait3A_131 = arith.constant 384 : i32
      %dma_wait3A_132 = arith.constant 0 : i32
      %dma_wait3A_133 = tpu.memref_slice %arg7[%dma_wait3A_131, %dma_wait3A_132] : memref<512x64xf32, #tpu.memory_space<vmem>> -> memref<128x64xf32, #tpu.memory_space<vmem>>
      %dma_wait3A_134 = arith.constant 0 : i32
      %dma_wait3A_135 = tpu.memref_slice %arg5[%dma_wait3A_130, %dma_wait3A_134] : memref<4x128xi32, #tpu.memory_space<vmem>> -> memref<1x128xi32, #tpu.memory_space<vmem>>
      %dma_wait3A_136 = tpu.memref_squeeze %dma_wait3A_135 : memref<1x128xi32, #tpu.memory_space<vmem>> -> memref<128xi32, #tpu.memory_space<vmem>>
      %dma_wait3A_137 = arith.constant 0 : i32
      %dma_wait3A_138 = arith.constant 0 : i32
      %dma_wait3A_139 = tpu.memref_slice %arg2[%dma_wait3A_137, %dma_wait3A_138] : memref<1000000x64xf32, #tpu.memory_space<hbm>> -> memref<1000000x64xf32, #tpu.memory_space<hbm>>
      tpu.wait_indirect_dma semaphore(%arg11 : memref<!tpu.dma_semaphore, #tpu.memory_space<semaphore_mem>>) src(%dma_wait3A_139 : memref<1000000x64xf32, #tpu.memory_space<hbm>>) dst(%dma_wait3A_133 : memref<128x64xf32, #tpu.memory_space<vmem>>)
      %add3A_140 = arith.constant 2 : i32
      %add3A_141 = arith.addi %add3A_50, %add3A_140 : i32
      %rem3A = arith.constant 50 : i32
      %rem3A_142 = arith.remsi %add3A_141, %rem3A : i32
      %mul3A_143 = arith.constant 4 : i32
      %mul3A_144 = arith.muli %rem3A_142, %mul3A_143 : i32
      %add3A_145 = arith.addi %mul3A_2, %mul3A_144 : i32
      %dma_start3A_146 = arith.constant 0 : i32
      %dma_start3A_147 = tpu.memref_slice %arg3[%add3A_145, %dma_start3A_146] : memref<6400x128xi32, #tpu.memory_space<hbm>> -> memref<4x128xi32, #tpu.memory_space<hbm>>
      %dma_start3A_148 = arith.constant 0 : i32
      %dma_start3A_149 = tpu.memref_slice %arg3[%add3A_145, %dma_start3A_148] : memref<6400x128xi32, #tpu.memory_space<hbm>> -> memref<4x128xi32, #tpu.memory_space<hbm>>
      tpu.enqueue_dma source(%dma_start3A_149 : memref<4x128xi32, #tpu.memory_space<hbm>>) target(%arg5 : memref<4x128xi32, #tpu.memory_space<vmem>>) target_semaphore(%arg9 : memref<!tpu.dma_semaphore, #tpu.memory_space<semaphore_mem>>)
      %mul3A_150 = arith.constant 128 : i32
      %mul3A_151 = arith.muli %add3A_53, %mul3A_150 : i32
      %dma_start3A_152 = arith.constant 0 : i32
      %dma_start3A_153 = tpu.memref_slice %arg4[%mul3A_151, %dma_start3A_152] : memref<819200x128xf32, #tpu.memory_space<hbm>> -> memref<512x64xf32, #tpu.memory_space<hbm>>
      %dma_start3A_154 = arith.constant 0 : i32
      %dma_start3A_155 = tpu.memref_slice %arg4[%mul3A_151, %dma_start3A_154] : memref<819200x128xf32, #tpu.memory_space<hbm>> -> memref<512x64xf32, #tpu.memory_space<hbm>>
      tpu.enqueue_dma source(%arg7 : memref<512x64xf32, #tpu.memory_space<vmem>>) target(%dma_start3A_155 : memref<512x64xf32, #tpu.memory_space<hbm>>) target_semaphore(%arg13 : memref<!tpu.dma_semaphore, #tpu.memory_space<semaphore_mem>>)
      %mul3A_156 = arith.constant 2 : i32
      %mul3A_157 = arith.muli %mul3A_156, %scan3A_46 : i32
      %add3A_158 = arith.constant 1 : i32
      %add3A_159 = arith.addi %mul3A_157, %add3A_158 : i32
      %mul3A_160 = arith.constant 4 : i32
      %mul3A_161 = arith.muli %add3A_159, %mul3A_160 : i32
      %add3A_162 = arith.addi %mul3A_2, %mul3A_161 : i32
      %gt3A_163 = arith.constant 0 : i32
      %gt3A_164 = arith.cmpi sgt, %scan3A_46, %gt3A_163 : i32
      %convert_element_type3A_165 = arith.extui %gt3A_164 : i1 to i32
      %cond3A_166 = arith.constant 0 : i32
      %cond3A_167 = arith.cmpi ne, %convert_element_type3A_165, %cond3A_166 : i32
      scf.if %cond3A_167 {
        %sub3A = arith.constant 8 : i32
        %sub3A_269 = arith.subi %add3A_162, %sub3A : i32
        %mul3A_270 = arith.constant 128 : i32
        %mul3A_271 = arith.muli %sub3A_269, %mul3A_270 : i32
        %dma_wait3A_272 = arith.constant 0 : i32
        %dma_wait3A_273 = tpu.memref_slice %arg4[%mul3A_271, %dma_wait3A_272] : memref<819200x128xf32, #tpu.memory_space<hbm>> -> memref<512x64xf32, #tpu.memory_space<hbm>>
        %dma_wait3A_274 = arith.constant 0 : i32
        %dma_wait3A_275 = tpu.memref_slice %arg4[%mul3A_271, %dma_wait3A_274] : memref<819200x128xf32, #tpu.memory_space<hbm>> -> memref<512x64xf32, #tpu.memory_space<hbm>>
        tpu.wait_dma2 semaphore(%arg14 : memref<!tpu.dma_semaphore, #tpu.memory_space<semaphore_mem>>) src(%arg8 : memref<512x64xf32, #tpu.memory_space<vmem>>) dst(%dma_wait3A_275 : memref<512x64xf32, #tpu.memory_space<hbm>>)
      } else {
      }
      %dma_wait3A_168 = arith.constant 0 : i32
      %dma_wait3A_169 = tpu.memref_slice %arg3[%add3A_162, %dma_wait3A_168] : memref<6400x128xi32, #tpu.memory_space<hbm>> -> memref<4x128xi32, #tpu.memory_space<hbm>>
      %dma_wait3A_170 = arith.constant 0 : i32
      %dma_wait3A_171 = tpu.memref_slice %arg3[%add3A_162, %dma_wait3A_170] : memref<6400x128xi32, #tpu.memory_space<hbm>> -> memref<4x128xi32, #tpu.memory_space<hbm>>
      tpu.wait_dma2 semaphore(%arg10 : memref<!tpu.dma_semaphore, #tpu.memory_space<semaphore_mem>>) src(%dma_wait3A_171 : memref<4x128xi32, #tpu.memory_space<hbm>>) dst(%arg6 : memref<4x128xi32, #tpu.memory_space<vmem>>)
      %dma_start3A_172 = arith.constant 0 : i32
      %dma_start3A_173 = arith.constant 0 : i32
      %dma_start3A_174 = arith.constant 0 : i32
      %dma_start3A_175 = tpu.memref_slice %arg8[%dma_start3A_173, %dma_start3A_174] : memref<512x64xf32, #tpu.memory_space<vmem>> -> memref<128x64xf32, #tpu.memory_space<vmem>>
      %dma_start3A_176 = arith.constant 0 : i32
      %dma_start3A_177 = tpu.memref_slice %arg6[%dma_start3A_172, %dma_start3A_176] : memref<4x128xi32, #tpu.memory_space<vmem>> -> memref<1x128xi32, #tpu.memory_space<vmem>>
      %dma_start3A_178 = tpu.memref_squeeze %dma_start3A_177 : memref<1x128xi32, #tpu.memory_space<vmem>> -> memref<128xi32, #tpu.memory_space<vmem>>
      %dma_start3A_179 = arith.constant 0 : i32
      %dma_start3A_180 = arith.constant 0 : i32
      %dma_start3A_181 = tpu.memref_slice %arg2[%dma_start3A_179, %dma_start3A_180] : memref<1000000x64xf32, #tpu.memory_space<hbm>> -> memref<1000000x64xf32, #tpu.memory_space<hbm>>
      tpu.enqueue_indirect_dma source(%dma_start3A_181 : memref<1000000x64xf32, #tpu.memory_space<hbm>>) target(%dma_start3A_175 : memref<128x64xf32, #tpu.memory_space<vmem>>) offsets(%dma_start3A_178 : memref<128xi32, #tpu.memory_space<vmem>>) semaphore(%arg12 : memref<!tpu.dma_semaphore, #tpu.memory_space<semaphore_mem>>)
      %dma_start3A_182 = arith.constant 1 : i32
      %dma_start3A_183 = arith.constant 128 : i32
      %dma_start3A_184 = arith.constant 0 : i32
      %dma_start3A_185 = tpu.memref_slice %arg8[%dma_start3A_183, %dma_start3A_184] : memref<512x64xf32, #tpu.memory_space<vmem>> -> memref<128x64xf32, #tpu.memory_space<vmem>>
      %dma_start3A_186 = arith.constant 0 : i32
      %dma_start3A_187 = tpu.memref_slice %arg6[%dma_start3A_182, %dma_start3A_186] : memref<4x128xi32, #tpu.memory_space<vmem>> -> memref<1x128xi32, #tpu.memory_space<vmem>>
      %dma_start3A_188 = tpu.memref_squeeze %dma_start3A_187 : memref<1x128xi32, #tpu.memory_space<vmem>> -> memref<128xi32, #tpu.memory_space<vmem>>
      %dma_start3A_189 = arith.constant 0 : i32
      %dma_start3A_190 = arith.constant 0 : i32
      %dma_start3A_191 = tpu.memref_slice %arg2[%dma_start3A_189, %dma_start3A_190] : memref<1000000x64xf32, #tpu.memory_space<hbm>> -> memref<1000000x64xf32, #tpu.memory_space<hbm>>
      tpu.enqueue_indirect_dma source(%dma_start3A_191 : memref<1000000x64xf32, #tpu.memory_space<hbm>>) target(%dma_start3A_185 : memref<128x64xf32, #tpu.memory_space<vmem>>) offsets(%dma_start3A_188 : memref<128xi32, #tpu.memory_space<vmem>>) semaphore(%arg12 : memref<!tpu.dma_semaphore, #tpu.memory_space<semaphore_mem>>)
      %dma_start3A_192 = arith.constant 2 : i32
      %dma_start3A_193 = arith.constant 256 : i32
      %dma_start3A_194 = arith.constant 0 : i32
      %dma_start3A_195 = tpu.memref_slice %arg8[%dma_start3A_193, %dma_start3A_194] : memref<512x64xf32, #tpu.memory_space<vmem>> -> memref<128x64xf32, #tpu.memory_space<vmem>>
      %dma_start3A_196 = arith.constant 0 : i32
      %dma_start3A_197 = tpu.memref_slice %arg6[%dma_start3A_192, %dma_start3A_196] : memref<4x128xi32, #tpu.memory_space<vmem>> -> memref<1x128xi32, #tpu.memory_space<vmem>>
      %dma_start3A_198 = tpu.memref_squeeze %dma_start3A_197 : memref<1x128xi32, #tpu.memory_space<vmem>> -> memref<128xi32, #tpu.memory_space<vmem>>
      %dma_start3A_199 = arith.constant 0 : i32
      %dma_start3A_200 = arith.constant 0 : i32
      %dma_start3A_201 = tpu.memref_slice %arg2[%dma_start3A_199, %dma_start3A_200] : memref<1000000x64xf32, #tpu.memory_space<hbm>> -> memref<1000000x64xf32, #tpu.memory_space<hbm>>
      tpu.enqueue_indirect_dma source(%dma_start3A_201 : memref<1000000x64xf32, #tpu.memory_space<hbm>>) target(%dma_start3A_195 : memref<128x64xf32, #tpu.memory_space<vmem>>) offsets(%dma_start3A_198 : memref<128xi32, #tpu.memory_space<vmem>>) semaphore(%arg12 : memref<!tpu.dma_semaphore, #tpu.memory_space<semaphore_mem>>)
      %dma_start3A_202 = arith.constant 3 : i32
      %dma_start3A_203 = arith.constant 384 : i32
      %dma_start3A_204 = arith.constant 0 : i32
      %dma_start3A_205 = tpu.memref_slice %arg8[%dma_start3A_203, %dma_start3A_204] : memref<512x64xf32, #tpu.memory_space<vmem>> -> memref<128x64xf32, #tpu.memory_space<vmem>>
      %dma_start3A_206 = arith.constant 0 : i32
      %dma_start3A_207 = tpu.memref_slice %arg6[%dma_start3A_202, %dma_start3A_206] : memref<4x128xi32, #tpu.memory_space<vmem>> -> memref<1x128xi32, #tpu.memory_space<vmem>>
      %dma_start3A_208 = tpu.memref_squeeze %dma_start3A_207 : memref<1x128xi32, #tpu.memory_space<vmem>> -> memref<128xi32, #tpu.memory_space<vmem>>
      %dma_start3A_209 = arith.constant 0 : i32
      %dma_start3A_210 = arith.constant 0 : i32
      %dma_start3A_211 = tpu.memref_slice %arg2[%dma_start3A_209, %dma_start3A_210] : memref<1000000x64xf32, #tpu.memory_space<hbm>> -> memref<1000000x64xf32, #tpu.memory_space<hbm>>
      tpu.enqueue_indirect_dma source(%dma_start3A_211 : memref<1000000x64xf32, #tpu.memory_space<hbm>>) target(%dma_start3A_205 : memref<128x64xf32, #tpu.memory_space<vmem>>) offsets(%dma_start3A_208 : memref<128xi32, #tpu.memory_space<vmem>>) semaphore(%arg12 : memref<!tpu.dma_semaphore, #tpu.memory_space<semaphore_mem>>)
      %dma_wait3A_212 = arith.constant 0 : i32
      %dma_wait3A_213 = arith.constant 0 : i32
      %dma_wait3A_214 = arith.constant 0 : i32
      %dma_wait3A_215 = tpu.memref_slice %arg8[%dma_wait3A_213, %dma_wait3A_214] : memref<512x64xf32, #tpu.memory_space<vmem>> -> memref<128x64xf32, #tpu.memory_space<vmem>>
      %dma_wait3A_216 = arith.constant 0 : i32
      %dma_wait3A_217 = tpu.memref_slice %arg6[%dma_wait3A_212, %dma_wait3A_216] : memref<4x128xi32, #tpu.memory_space<vmem>> -> memref<1x128xi32, #tpu.memory_space<vmem>>
      %dma_wait3A_218 = tpu.memref_squeeze %dma_wait3A_217 : memref<1x128xi32, #tpu.memory_space<vmem>> -> memref<128xi32, #tpu.memory_space<vmem>>
      %dma_wait3A_219 = arith.constant 0 : i32
      %dma_wait3A_220 = arith.constant 0 : i32
      %dma_wait3A_221 = tpu.memref_slice %arg2[%dma_wait3A_219, %dma_wait3A_220] : memref<1000000x64xf32, #tpu.memory_space<hbm>> -> memref<1000000x64xf32, #tpu.memory_space<hbm>>
      tpu.wait_indirect_dma semaphore(%arg12 : memref<!tpu.dma_semaphore, #tpu.memory_space<semaphore_mem>>) src(%dma_wait3A_221 : memref<1000000x64xf32, #tpu.memory_space<hbm>>) dst(%dma_wait3A_215 : memref<128x64xf32, #tpu.memory_space<vmem>>)
      %dma_wait3A_222 = arith.constant 1 : i32
      %dma_wait3A_223 = arith.constant 128 : i32
      %dma_wait3A_224 = arith.constant 0 : i32
      %dma_wait3A_225 = tpu.memref_slice %arg8[%dma_wait3A_223, %dma_wait3A_224] : memref<512x64xf32, #tpu.memory_space<vmem>> -> memref<128x64xf32, #tpu.memory_space<vmem>>
      %dma_wait3A_226 = arith.constant 0 : i32
      %dma_wait3A_227 = tpu.memref_slice %arg6[%dma_wait3A_222, %dma_wait3A_226] : memref<4x128xi32, #tpu.memory_space<vmem>> -> memref<1x128xi32, #tpu.memory_space<vmem>>
      %dma_wait3A_228 = tpu.memref_squeeze %dma_wait3A_227 : memref<1x128xi32, #tpu.memory_space<vmem>> -> memref<128xi32, #tpu.memory_space<vmem>>
      %dma_wait3A_229 = arith.constant 0 : i32
      %dma_wait3A_230 = arith.constant 0 : i32
      %dma_wait3A_231 = tpu.memref_slice %arg2[%dma_wait3A_229, %dma_wait3A_230] : memref<1000000x64xf32, #tpu.memory_space<hbm>> -> memref<1000000x64xf32, #tpu.memory_space<hbm>>
      tpu.wait_indirect_dma semaphore(%arg12 : memref<!tpu.dma_semaphore, #tpu.memory_space<semaphore_mem>>) src(%dma_wait3A_231 : memref<1000000x64xf32, #tpu.memory_space<hbm>>) dst(%dma_wait3A_225 : memref<128x64xf32, #tpu.memory_space<vmem>>)
      %dma_wait3A_232 = arith.constant 2 : i32
      %dma_wait3A_233 = arith.constant 256 : i32
      %dma_wait3A_234 = arith.constant 0 : i32
      %dma_wait3A_235 = tpu.memref_slice %arg8[%dma_wait3A_233, %dma_wait3A_234] : memref<512x64xf32, #tpu.memory_space<vmem>> -> memref<128x64xf32, #tpu.memory_space<vmem>>
      %dma_wait3A_236 = arith.constant 0 : i32
      %dma_wait3A_237 = tpu.memref_slice %arg6[%dma_wait3A_232, %dma_wait3A_236] : memref<4x128xi32, #tpu.memory_space<vmem>> -> memref<1x128xi32, #tpu.memory_space<vmem>>
      %dma_wait3A_238 = tpu.memref_squeeze %dma_wait3A_237 : memref<1x128xi32, #tpu.memory_space<vmem>> -> memref<128xi32, #tpu.memory_space<vmem>>
      %dma_wait3A_239 = arith.constant 0 : i32
      %dma_wait3A_240 = arith.constant 0 : i32
      %dma_wait3A_241 = tpu.memref_slice %arg2[%dma_wait3A_239, %dma_wait3A_240] : memref<1000000x64xf32, #tpu.memory_space<hbm>> -> memref<1000000x64xf32, #tpu.memory_space<hbm>>
      tpu.wait_indirect_dma semaphore(%arg12 : memref<!tpu.dma_semaphore, #tpu.memory_space<semaphore_mem>>) src(%dma_wait3A_241 : memref<1000000x64xf32, #tpu.memory_space<hbm>>) dst(%dma_wait3A_235 : memref<128x64xf32, #tpu.memory_space<vmem>>)
      %dma_wait3A_242 = arith.constant 3 : i32
      %dma_wait3A_243 = arith.constant 384 : i32
      %dma_wait3A_244 = arith.constant 0 : i32
      %dma_wait3A_245 = tpu.memref_slice %arg8[%dma_wait3A_243, %dma_wait3A_244] : memref<512x64xf32, #tpu.memory_space<vmem>> -> memref<128x64xf32, #tpu.memory_space<vmem>>
      %dma_wait3A_246 = arith.constant 0 : i32
      %dma_wait3A_247 = tpu.memref_slice %arg6[%dma_wait3A_242, %dma_wait3A_246] : memref<4x128xi32, #tpu.memory_space<vmem>> -> memref<1x128xi32, #tpu.memory_space<vmem>>
      %dma_wait3A_248 = tpu.memref_squeeze %dma_wait3A_247 : memref<1x128xi32, #tpu.memory_space<vmem>> -> memref<128xi32, #tpu.memory_space<vmem>>
      %dma_wait3A_249 = arith.constant 0 : i32
      %dma_wait3A_250 = arith.constant 0 : i32
      %dma_wait3A_251 = tpu.memref_slice %arg2[%dma_wait3A_249, %dma_wait3A_250] : memref<1000000x64xf32, #tpu.memory_space<hbm>> -> memref<1000000x64xf32, #tpu.memory_space<hbm>>
      tpu.wait_indirect_dma semaphore(%arg12 : memref<!tpu.dma_semaphore, #tpu.memory_space<semaphore_mem>>) src(%dma_wait3A_251 : memref<1000000x64xf32, #tpu.memory_space<hbm>>) dst(%dma_wait3A_245 : memref<128x64xf32, #tpu.memory_space<vmem>>)
      %add3A_252 = arith.constant 2 : i32
      %add3A_253 = arith.addi %add3A_159, %add3A_252 : i32
      %rem3A_254 = arith.constant 50 : i32
      %rem3A_255 = arith.remsi %add3A_253, %rem3A_254 : i32
      %mul3A_256 = arith.constant 4 : i32
      %mul3A_257 = arith.muli %rem3A_255, %mul3A_256 : i32
      %add3A_258 = arith.addi %mul3A_2, %mul3A_257 : i32
      %dma_start3A_259 = arith.constant 0 : i32
      %dma_start3A_260 = tpu.memref_slice %arg3[%add3A_258, %dma_start3A_259] : memref<6400x128xi32, #tpu.memory_space<hbm>> -> memref<4x128xi32, #tpu.memory_space<hbm>>
      %dma_start3A_261 = arith.constant 0 : i32
      %dma_start3A_262 = tpu.memref_slice %arg3[%add3A_258, %dma_start3A_261] : memref<6400x128xi32, #tpu.memory_space<hbm>> -> memref<4x128xi32, #tpu.memory_space<hbm>>
      tpu.enqueue_dma source(%dma_start3A_262 : memref<4x128xi32, #tpu.memory_space<hbm>>) target(%arg6 : memref<4x128xi32, #tpu.memory_space<vmem>>) target_semaphore(%arg10 : memref<!tpu.dma_semaphore, #tpu.memory_space<semaphore_mem>>)
      %mul3A_263 = arith.constant 128 : i32
      %mul3A_264 = arith.muli %add3A_162, %mul3A_263 : i32
      %dma_start3A_265 = arith.constant 0 : i32
      %dma_start3A_266 = tpu.memref_slice %arg4[%mul3A_264, %dma_start3A_265] : memref<819200x128xf32, #tpu.memory_space<hbm>> -> memref<512x64xf32, #tpu.memory_space<hbm>>
      %dma_start3A_267 = arith.constant 0 : i32
      %dma_start3A_268 = tpu.memref_slice %arg4[%mul3A_264, %dma_start3A_267] : memref<819200x128xf32, #tpu.memory_space<hbm>> -> memref<512x64xf32, #tpu.memory_space<hbm>>
      tpu.enqueue_dma source(%arg8 : memref<512x64xf32, #tpu.memory_space<vmem>>) target(%dma_start3A_268 : memref<512x64xf32, #tpu.memory_space<hbm>>) target_semaphore(%arg14 : memref<!tpu.dma_semaphore, #tpu.memory_space<semaphore_mem>>)
    }
    %scan3A_18 = arith.constant 25 : i32
    %add3A_19 = arith.constant 192 : i32
    %add3A_20 = arith.addi %mul3A_2, %add3A_19 : i32
    %mul3A_21 = arith.constant 128 : i32
    %mul3A_22 = arith.muli %add3A_20, %mul3A_21 : i32
    %dma_wait3A = arith.constant 0 : i32
    %dma_wait3A_23 = tpu.memref_slice %arg4[%mul3A_22, %dma_wait3A] : memref<819200x128xf32, #tpu.memory_space<hbm>> -> memref<512x64xf32, #tpu.memory_space<hbm>>
    %dma_wait3A_24 = arith.constant 0 : i32
    %dma_wait3A_25 = tpu.memref_slice %arg4[%mul3A_22, %dma_wait3A_24] : memref<819200x128xf32, #tpu.memory_space<hbm>> -> memref<512x64xf32, #tpu.memory_space<hbm>>
    tpu.wait_dma2 semaphore(%arg13 : memref<!tpu.dma_semaphore, #tpu.memory_space<semaphore_mem>>) src(%arg7 : memref<512x64xf32, #tpu.memory_space<vmem>>) dst(%dma_wait3A_25 : memref<512x64xf32, #tpu.memory_space<hbm>>)
    %add3A_26 = arith.constant 0 : i32
    %add3A_27 = arith.addi %mul3A_2, %add3A_26 : i32
    %dma_wait3A_28 = arith.constant 0 : i32
    %dma_wait3A_29 = tpu.memref_slice %arg3[%add3A_27, %dma_wait3A_28] : memref<6400x128xi32, #tpu.memory_space<hbm>> -> memref<4x128xi32, #tpu.memory_space<hbm>>
    %dma_wait3A_30 = arith.constant 0 : i32
    %dma_wait3A_31 = tpu.memref_slice %arg3[%add3A_27, %dma_wait3A_30] : memref<6400x128xi32, #tpu.memory_space<hbm>> -> memref<4x128xi32, #tpu.memory_space<hbm>>
    tpu.wait_dma2 semaphore(%arg9 : memref<!tpu.dma_semaphore, #tpu.memory_space<semaphore_mem>>) src(%dma_wait3A_31 : memref<4x128xi32, #tpu.memory_space<hbm>>) dst(%arg5 : memref<4x128xi32, #tpu.memory_space<vmem>>)
    %add3A_32 = arith.constant 196 : i32
    %add3A_33 = arith.addi %mul3A_2, %add3A_32 : i32
    %mul3A_34 = arith.constant 128 : i32
    %mul3A_35 = arith.muli %add3A_33, %mul3A_34 : i32
    %dma_wait3A_36 = arith.constant 0 : i32
    %dma_wait3A_37 = tpu.memref_slice %arg4[%mul3A_35, %dma_wait3A_36] : memref<819200x128xf32, #tpu.memory_space<hbm>> -> memref<512x64xf32, #tpu.memory_space<hbm>>
    %dma_wait3A_38 = arith.constant 0 : i32
    %dma_wait3A_39 = tpu.memref_slice %arg4[%mul3A_35, %dma_wait3A_38] : memref<819200x128xf32, #tpu.memory_space<hbm>> -> memref<512x64xf32, #tpu.memory_space<hbm>>
    tpu.wait_dma2 semaphore(%arg14 : memref<!tpu.dma_semaphore, #tpu.memory_space<semaphore_mem>>) src(%arg8 : memref<512x64xf32, #tpu.memory_space<vmem>>) dst(%dma_wait3A_39 : memref<512x64xf32, #tpu.memory_space<hbm>>)
    %add3A_40 = arith.constant 4 : i32
    %add3A_41 = arith.addi %mul3A_2, %add3A_40 : i32
    %dma_wait3A_42 = arith.constant 0 : i32
    %dma_wait3A_43 = tpu.memref_slice %arg3[%add3A_41, %dma_wait3A_42] : memref<6400x128xi32, #tpu.memory_space<hbm>> -> memref<4x128xi32, #tpu.memory_space<hbm>>
    %dma_wait3A_44 = arith.constant 0 : i32
    %dma_wait3A_45 = tpu.memref_slice %arg3[%add3A_41, %dma_wait3A_44] : memref<6400x128xi32, #tpu.memory_space<hbm>> -> memref<4x128xi32, #tpu.memory_space<hbm>>
    tpu.wait_dma2 semaphore(%arg10 : memref<!tpu.dma_semaphore, #tpu.memory_space<semaphore_mem>>) src(%dma_wait3A_45 : memref<4x128xi32, #tpu.memory_space<hbm>>) dst(%arg6 : memref<4x128xi32, #tpu.memory_space<vmem>>)
    return
  }
}

</mosaic_0001>

<sc_bundles>
// kernel: kernel.3.cloned.1.call-start
scs
__scs_entry_jumppad:
0x0: {  	(pc) =	sbr.rel $0x88, $3  }
0x1: {  	(tag) =	ssettag $0x0;
	lr =	simm.s32 $0x1  }
0x2: {  	[smem:$0x3F9F] =	sst lr;
	_ =	strace $0xD0000000  }
0x3: {  	_ = 	snop  }
0x4: {  	_ = 	snop  }
0x5: {  	_ = 	snop  }
0x6: {  	_ = 	snop  }
0x7: {  	_ = 	snop  }
__scs_overlays_trampoline_lowered:
0x8: {  	[smem:$0x3FAE] =	sst s0  }
0x9: {  	[smem:$0x3FAF] =	sst s1  }
0xa: {  	[smem:$0x3FB0] =	sst s2  }
0xb: {  	[smem:$0x3FB1] =	sst s3  }
0xc: {  	[smem:$0x3FB2] =	sst s4  }
0xd: {  	[smem:$0x3FB3] =	sst s5  }
0xe: {  	[smem:$0x3FB4] =	sst s6  }
0xf: {  	[smem:$0x3FB5] =	sst s7  }
0x10: {  	[smem:$0x3FB6] =	sst s8  }
0x11: {  	[smem:$0x3FB7] =	sst s9;
	s0 =	simm.s32 @!p0 $0x0  }
0x12: {  	s1 =	sld [smem:$0x3F9D];
	s0 =	simm.s32 @p0 $0x1  }
0x13: {  	[smem:$0x3FB8] =	sst s0;
	s0 =	simm.s32 @!p1 $0x0  }
0x14: {  	s2 =	sld [smem:$0x3F9C];
	s0 =	simm.s32 @p1 $0x1  }
0x15: {  	[smem:$0x3FB9] =	sst s0;
	s0 =	simm.s32 @!p2 $0x0  }
0x16: {  	s3 =	sld [smem:$0x3FDB];
	s0 =	simm.s32 @p2 $0x1  }
0x17: {  	s4 =	simm.s32 $0x1BF5;
	[smem:$0x3FBB] =	sst s0  }
0x18: {  	s0 =	sld [smem:$0x3F9E];
	_ =	swait.ge [sflag:s4], $0x0  }
0x19: {  	s7 =	sld [smem:$0x3F9F]  }
0x1a: {  	s8 =	sadd.s32 $0xFFFFE003, lr  }
0x1b: {  	s9 =	sadd.s32 $0xFFFFFEF7, lr;
	s5 =	simm.s32 $0xFFFFFFFF;
	p2 =	slt.u32 s8, $0xFFFFF086  }
0x1c: {  	p1 =	slt.u32 s9, $0xF7A;
	s5 =	simm.s32 @!p2 $0x0  }
0x1d: {  	s5 =	simm.s32 @p1 $0x1;
	p0 =	seq.s32 s7, s2  }
0x1e: {  	s7 =	smul.u32 @!p0 $0xF7A, s2;
	p2 =	seq.s32 @!p0 s5, $0x0  }
0x1f: {  	s9 =	smul.u32 $0xF7A, s1;
	s8 =	simm.s32 @!p0 $0x1BF5;
	p2 =	por !p2, p0  }
0x20: {  	[sflag:s8] =	ssyncset.s32 @!p0 $0xFFFFF086;
	s6 =	sadd.s32 @!p0 s3, s7;
	s7 =	simm.s32 @!p0 $0x108  }
0x21: {  	s3 =	sadd.s32 s3, s9;
	s6 =	sadd.s32 @!p0 $0x88, s6;
	s7 =	simm.s32 @p2 $0x1082  }
0x22: {  	[simem:s7], [sflag:s8] =	dma.local @!p0 [hbm:s6], $0xF7A  }
0x23: {  	s9 =	sor.u32 $0xD0000000, s2;
	s6 =	simm.s32 $0x108;
	_ =	swait.ge @!p0 [sflag:s8], $0x0  }
0x24: {  	s3 =	sadd.s32 $0x88, s3;
	s6 =	simm.s32 @!p1 $0x1082;
	[sflag:s4] =	ssyncset.s32 $0xFFFFF086  }
0x25: {  	[simem:s6], [sflag:s4] =	dma.local [hbm:s3], $0xF7A  }
0x26: {  	[smem:$0x3F9F] =	sst s1;
	(tag) =	ssettag s2;
	_ =	strace s9  }
0x27: {  	s1 =	sld [smem:$0x3FAF]  }
0x28: {  	s2 =	sld [smem:$0x3FB0]  }
0x29: {  	s4 =	sld [smem:$0x3FB2]  }
0x2a: {  	p0 =	seq.s32 s5, $0x0;
	s5 =	sld [smem:$0x3FB3]  }
0x2b: {  	s6 =	sld [smem:$0x3FB4]  }
0x2c: {  	s7 =	sld [smem:$0x3FB5]  }
0x2d: {  	s3 =	simm.s32 $0x108;
	s8 =	sld [smem:$0x3FB6]  }
0x2e: {  	s3 =	simm.s32 @!p0 $0x1082;
	s9 =	sld [smem:$0x3FB7]  }
0x2f: {  	lr =	sadd.s32 s0, s3;
	s0 =	sld [smem:$0x3FAE]  }
0x30: {  	s3 =	sld [smem:$0x3FB1]  }
0x31: {  	[smem:$0x3FBA] =	sst s10  }
0x32: {  	s10 =	sld [smem:$0x3FB8];
	_ =	sdelay $0x3  }
0x33: {  	p0 =	seq.s32 s10, $0x1;
	s10 =	sld [smem:$0x3FBA];
	_ =	sdelay $0x3  }
0x34: {  	[smem:$0x3FBA] =	sst s10  }
0x35: {  	s10 =	sld [smem:$0x3FB9];
	_ =	sdelay $0x3  }
0x36: {  	p1 =	seq.s32 s10, $0x1;
	s10 =	sld [smem:$0x3FBA];
	_ =	sdelay $0x3  }
0x37: {  	[smem:$0x3FBA] =	sst s10  }
0x38: {  	s10 =	sld [smem:$0x3FBB]  }
0x39: {  	_ = 	snop;
	(pc) =	sbr.ind lr, $3  }
0x3a: {  	_ = 	snop  }
0x3b: {  	_ = 	snop  }
0x3c: {  	p2 =	seq.s32 s10, $0x1;
	s10 =	sld [smem:$0x3FBA]  }
0x3d: {  	_ =	shalt  }
0x3e: {  	_ =	shalt  }
0x3f: {  	_ =	shalt  }
0x40: {  	_ =	shalt  }
0x41: {  	_ =	shalt  }
0x42: {  	_ =	shalt  }
0x43: {  	_ =	shalt  }
0x44: {  	_ =	shalt  }
0x45: {  	_ =	shalt  }
0x46: {  	_ =	shalt  }
0x47: {  	_ =	shalt  }
0x48: {  	_ =	shalt  }
0x49: {  	_ =	shalt  }
0x4a: {  	_ =	shalt  }
0x4b: {  	_ =	shalt  }
0x4c: {  	_ =	shalt  }
0x4d: {  	_ =	shalt  }
0x4e: {  	_ =	shalt  }
0x4f: {  	_ =	shalt  }
0x50: {  	_ =	shalt  }
0x51: {  	_ =	shalt  }
0x52: {  	_ =	shalt  }
0x53: {  	_ =	shalt  }
0x54: {  	_ =	shalt  }
0x55: {  	_ =	shalt  }
0x56: {  	_ =	shalt  }
0x57: {  	_ =	shalt  }
0x58: {  	_ =	shalt  }
0x59: {  	_ =	shalt  }
0x5a: {  	_ =	shalt  }
0x5b: {  	_ =	shalt  }
0x5c: {  	_ =	shalt  }
0x5d: {  	_ =	shalt  }
0x5e: {  	_ =	shalt  }
0x5f: {  	_ =	shalt  }
0x60: {  	_ =	shalt  }
0x61: {  	_ =	shalt  }
0x62: {  	_ =	shalt  }
0x63: {  	_ =	shalt  }
0x64: {  	_ =	shalt  }
0x65: {  	_ =	shalt  }
0x66: {  	_ =	shalt  }
0x67: {  	_ =	shalt  }
0x68: {  	_ =	shalt  }
0x69: {  	_ =	shalt  }
0x6a: {  	_ =	shalt  }
0x6b: {  	_ =	shalt  }
0x6c: {  	_ =	shalt  }
0x6d: {  	_ =	shalt  }
0x6e: {  	_ =	shalt  }
0x6f: {  	_ =	shalt  }
0x70: {  	_ =	shalt  }
0x71: {  	_ =	shalt  }
0x72: {  	_ =	shalt  }
0x73: {  	_ =	shalt  }
0x74: {  	_ =	shalt  }
0x75: {  	_ =	shalt  }
0x76: {  	_ =	shalt  }
0x77: {  	_ =	shalt  }
0x78: {  	_ =	shalt  }
0x79: {  	_ =	shalt  }
0x7a: {  	_ =	shalt  }
0x7b: {  	_ =	shalt  }
0x7c: {  	_ =	shalt  }
0x7d: {  	_ =	shalt  }
0x7e: {  	_ =	shalt  }
0x7f: {  	_ =	shalt  }
0x80: {  	_ =	shalt  }
0x81: {  	_ =	shalt  }
0x82: {  	_ =	shalt  }
0x83: {  	_ =	shalt  }
0x84: {  	_ =	shalt  }
0x85: {  	_ =	shalt  }
0x86: {  	_ =	shalt  }
0x87: {  	_ =	shalt  }
.Lfunc_end0:
.L_simem_size_0:
called_computation.1_lowered:
.L_overlay_start_0:
0x88: {  	s2 =	sld [smem:$0x3FD9]  }
0x89: {  	s3 =	sld [smem:$0x3FFE];
	_ =	sdelay $0x1  }
0x8a: {  	s1 =	srdreg.scid  }
0x8b: {  	s0 =	sand.u32 $0x1, s1  }
0x8c: {  	s17 =	sshll.u32 s0, $0xA;
	s2 =	sadd.s32 s3, s2  }
0x8d: {  	s2 =	sadd.s32 s2, s17  }
0x8e: {  	[smem:$0x3FC6] =	sst s2  }
0x8f: {  	_ = 	snop  }
0x90: {  	s2 =	sld [smem:$0x3FD0];
	(tm) =	ssettm $0x1  }
0x91: {  	s18 =	sld [smem:$0x3FFB];
	_ =	sdelay $0x3  }
0x92: {  	_ =	strace s18  }
0x93: {  	s3 =	sld [smem:$0x3FFC];
	_ =	sdelay $0x3  }
0x94: {  	_ =	strace s3  }
0x95: {  	s3 =	sld [smem:$0x3FFD];
	_ =	sdelay $0x3  }
0x96: {  	_ =	strace s3  }
0x97: {  	_ =	strace $0x8FFFFFFF  }
0x98: {  	s19 =	sld [smem:$0x3FDB];
	_ =	sdelay $0x1  }
0x99: {  	s4 =	simm.s32 $_scs_section_size  }
0x9a: {  	s5 =	simm.s32 $_size__tile_overlayer_lowered;
	s6 =	simm.s32 $_tile_overlayer_lowered  }
0x9b: {  	s22 =	simm.s32 $0x1BFF;
	s21 =	sshll.u32 s6, $0x1;
	s3 =	sadd.s32 s4, s19  }
0x9c: {  	s7 =	simm.s32 $0x0;
	s20 =	sshll.u32 s5, $0x1;
	s5 =	sadd.s32 s21, s3  }
0x9d: {  	[timem:s7], [sflag:s22] =	dma.local [hbm:s5], s20  }
0x9e: {  	_ =	swait.ge [sflag:s22], s20  }
0x9f: {  	s4 =	ssub.s32 $0x0, s20;
	[sflag:s22] =	ssyncset.done $0x0  }
0xa0: {  	[sflag:s22] =	ssyncadd.s32 s4;
	_ =	sdelay $0x1  }
0xa1: {  	s23 =	simm.s32 $0x1B8B  }
0xa2: {  	_ =	swait.ge [sflag:s23], $0x1  }
0xa3: {  	[sflag:s23] =	ssyncset.done $0x0  }
0xa4: {  	s25 =	simm.s32 $0x1B8E;
	s24 =	sld [smem:$0x3FFE];
	[sflag:s23] =	ssyncadd.s32 $0xFFFFFFFF  }
0xa5: {  	s26 =	simm.s32 $execute0_lowered;
	[smem:$0x3FD2] =	sst s25  }
0xa6: {  	s5 =	sshll.u32 s26, $0x1;
	_ =	strace $0x80000046;
	[dreg:$0x1] =	wrdreg $0xFFFFFFFF  }
0xa7: {  	s28 =	simm.s32 $_size_execute0_lowered;
	s3 =	sadd.s32 s3, s5;
	[dreg:$0x0] =	wrdreg $0x0  }
0xa8: {  	s5 =	sshll.u32 s28, $0x1;
	[dreg:$0x2] =	wrdreg s3  }
0xa9: {  	[dreg:$0x3] =	wrdreg s5  }
0xaa: {  	[dreg:$0x4] =	wrdreg $0xC0  }
0xab: {  	_ =	task [dreg:s7], $0x5FFFF  }
0xac: {  	[dreg:$0x1] =	wrdreg $0xFFFFFFFF  }
0xad: {  	[dreg:$0x0] =	wrdreg $0x60  }
0xae: {  	[dreg:$0x2] =	wrdreg s24  }
0xaf: {  	[dreg:$0x3] =	wrdreg s2  }
0xb0: {  	[dreg:$0x4] =	wrdreg $0x9  }
0xb1: {  	_ =	task.clear_ibuf [dreg:s7], $0x5FFFF;
	_ =	strace $0x90000046  }
0xb2: {  	s29 =	simm.s32 $0x9;
	_ =	strace $0x80000048  }
0xb3: {  	_ =	swait.ge [sflag:s29], $0x1  }
0xb4: {  	[sflag:s29] =	ssyncadd.s32 $0xFFFFFFFF  }
0xb5: {  	_ =	strace $0x90000048  }
0xb6: {  	_ =	sfence  }
0xb7: {  	s30 =	sld [smem:$0x0];
	_ =	sdelay $0x2  }
0xb8: {  	s31 =	sshll.u32 s1, $0xD;
	s1 =	sshrl.u32 s1, $0x2  }
0xb9: {  	s3 =	sand.u32 $0x4000, s31;
	s1 =	sadd.s32 s1, s30  }
0xba: {  	s0 =	sor.u32 s3, s0;
	s1 =	sshll.u32 s1, $0x11  }
0xbb: {  	s0 =	sor.u32 s1, s0  }
0xbc: {  	s0 =	sadd.s32 $0x8F2B, s0  }
0xbd: {  	[sflag:s0] =	ssyncadd.remote.s32 $0x1  }
0xbe: {  	_ =	sfence.sel $0xFFFF  }
0xbf: {  	[dreg:$0x0] =	wrdreg $0xFFFFFFFF;
	(pc) =	sbr.abs _section_cstart, $3  }
0xc0: {  	[dreg:$0x1] =	wrdreg $0xFFFFFFFF  }
0xc1: {  	_ =	task.clear_ibuf [dreg:s7], $0x2FFFF;
	_ =	strace $0x9FFFFFFF  }
0xc2: {  	(tm) =	ssettm $0x7FFFFFFF  }
0xc3: {  	_ =	shalt  }
tec
execute0_lowered:
.L_overlay_start_1:
0x0: {  	(tag) =	ssettag $0x1  }
0x1: {  	s0 =	rddreg [dreg:$0x0]  }
0x2: {  	s2 =	rddreg [dreg:$0x1]  }
0x3: {  	s4 =	srdreg.scid;
	s1 =	stileid.u32  }
0x4: {  	s3 =	simm.s32 $0x0;
	s23 =	simm.s32 $0x2400;
	s24 =	simm.s32 $0x100  }
0x5: {  	s25 =	simm.s32 $0x4400;
	s26 =	simm.s32 $0x180;
	s14 =	simm.s32 $0x400  }
0x6: {  	s28 =	simm.s32 $0x6400;
	s15 =	simm.s32 $0x3;
	s29 =	simm.s32 $0x280  }
0x7: {  	s16 =	simm.s32 $0x40;
	s30 =	simm.s32 $0xA400;
	[smem:$0x7FF] =	sst s3  }
0x8: {  	s17 =	simm.s32 $0x2;
	_ =	strace $0x80000047;
	[dreg:$0x3] =	wrdreg s23  }
0x9: {  	s31 =	simm.s32 $0x300;
	s18 =	simm.s32 $0x8400;
	[dreg:$0x4] =	wrdreg s24  }
0xa: {  	s19 =	simm.s32 $0xC400;
	s7 =	sand.u32 $0x1, s4;
	[dreg:$0x5] =	wrdreg s25  }
0xb: {  	s20 =	sshll.u32 s1, $0x1;
	s4 =	sadd.s32 $0xF42E00, s0;
	[dreg:$0x6] =	wrdreg s26  }
0xc: {  	s9 =	smul.u32 $0xC8000, s1;
	s0 =	sadd.s32 $0xA00, s0;
	[dreg:$0x7] =	wrdreg s28  }
0xd: {  	s10 =	smul.u32 $0x640000, s1;
	s8 =	sor.u32 s7, s20;
	[dreg:$0x8] =	wrdreg s29  }
0xe: {  	s6 =	ssub.s32 $0x2, s7;
	s12 =	smul.u32 $0x320000, s7;
	[dreg:$0x9] =	wrdreg s30  }
0xf: {  	s13 =	smul.u32 $0x64000, s7;
	[dreg:$0xa] =	wrdreg s31;
	s20 =	simm.s32 $0x380  }
0x10: {  	s23 =	simm.s32 $0x5;
	s24 =	simm.s32 $0x6;
	s5 =	smul.u32 $0xC80, s8  }
0x11: {  	s25 =	simm.s32 $0x0;
	s11 =	sshrl.u32 s6, $0x1;
	s7 =	smul.u32 $0x6400, s8  }
0x12: {  	s9 =	sadd.s32 s9, s0;
	s11 =	ssub.s32 s6, s11;
	s10 =	sadd.s32 s12, s10  }
0x13: {  	s9 =	sadd.s32 s13, s9;
	s12 =	simm.s32 $0x1;
	s13 =	simm.s32 $0x80  }
0x14: {  	s21 =	sadd.s32 s2, s5;
	s22 =	smax.u32 s11, $0x1;
	s10 =	sshrl.u32 s10, $0x3  }
0x15: {  	s9 =	sadd.s32 $0x2000, s9;
	s11 =	simm.s32 $0x200;
	[dreg:$0xb] =	wrdreg s21  }
0x16: {  	s1 =	sadd.s32 $0x40, s21;
	[dreg:$0xd] =	wrdreg s22;
	s10 =	sadd.s32 s10, s0  }
0x17: {  	s21 =	simm.s32 $0xE400;
	s22 =	simm.s32 $0x4;
	[dreg:$0xc] =	wrdreg s1  }
.LBB2_1:
0x18: {  	s0 =	rddreg [dreg:$0xb];
	p0 =	por $0x1, $0x1  }
0x19: {  	[tilespmem:s3], [sflag:$0x1] =	stream.linear.gather [hbm4b:s0+s3], $0x200, $0x38;
	[tilespmem:$0x10400] =	vst v63  }
0x1a: {  	p0 =	por p0, p0  }
0x1b: {  	s26 =	rddreg [dreg:$0xc];
	s0 =	simm.s32 @!p0 $0x5  }
0x1c: {  	[tilespmem:s11], [sflag:$0x2] =	stream.linear.gather [hbm4b:s26+s3], $0x200, $0x38;
	[tilespmem:$0x10400] =	vst v63  }
0x1d: {  	_ =	swait.ge @!p0 [sflag:s0], $0x8000  }
0x1e: {  	[sflag:s0] =	ssyncset.done @!p0 $0x0  }
0x1f: {  	[sflag:s0] =	ssyncadd.s32 @!p0 $0xFFFF8000  }
0x20: {  	_ =	swait.ge [sflag:s12], $0x200  }
0x21: {  	s1 =	rddreg [dreg:$0x4];
	[sflag:s12] =	ssyncset.done $0x0  }
0x22: {  	s26 =	rddreg [dreg:$0x3];
	[sflag:s12] =	ssyncadd.s32 $0xFFFFFE00  }
0x23: {  	[tilespmem:s14], [sflag:$0x3] =	stream.indirect.gather [hbm4b:s4+s13], $0x40, s3, s13, $0xb8;
	[tilespmem:$0x10400] =	vst v63  }
0x24: {  	s28 =	rddreg [dreg:$0x5]  }
0x25: {  	[tilespmem:s26], [sflag:$0x3] =	stream.indirect.gather [hbm4b:s4+s13], $0x40, s13, s13, $0xb8;
	[tilespmem:$0x10400] =	vst v63  }
0x26: {  	s29 =	rddreg [dreg:$0x7]  }
0x27: {  	[tilespmem:s28], [sflag:$0x3] =	stream.indirect.gather [hbm4b:s4+s13], $0x40, s1, s13, $0xb8;
	[tilespmem:$0x10400] =	vst v63  }
0x28: {  	s5 =	rddreg [dreg:$0x6]  }
0x29: {  	[tilespmem:s29], [sflag:$0x3] =	stream.indirect.gather [hbm4b:s4+s13], $0x40, s5, s13, $0xb8;
	[tilespmem:$0x10400] =	vst v63  }
0x2a: {  	_ =	swait.ge [sflag:s15], $0x2000  }
0x2b: {  	[sflag:s15] =	ssyncset.done $0x0  }
0x2c: {  	[sflag:s15] =	ssyncadd.s32 $0xFFFFE000  }
0x2d: {  	_ =	swait.ge [sflag:s15], $0x2000  }
0x2e: {  	[sflag:s15] =	ssyncset.done $0x0  }
0x2f: {  	[sflag:s15] =	ssyncadd.s32 $0xFFFFE000  }
0x30: {  	_ =	swait.ge [sflag:s15], $0x2000  }
0x31: {  	p1 =	por $0x0, $0x0;
	s0 =	simm.s32 $0x400;
	[sflag:s15] =	ssyncset.done $0x0  }
0x32: {  	s0 =	simm.s32 @p1 $0x0;
	[sflag:s15] =	ssyncadd.s32 $0xFFFFE000  }
0x33: {  	s0 =	sadd.s32 s7, s0;
	_ =	swait.ge [sflag:s15], $0x2000  }
0x34: {  	s0 =	sshrl.u32 s0, $0x3;
	[sflag:s15] =	ssyncset.done $0x0  }
0x35: {  	s0 =	sadd.s32 s2, s0;
	[sflag:s15] =	ssyncadd.s32 $0xFFFFE000  }
0x36: {  	[tilespmem:s3], [sflag:$0x1] =	stream.linear.gather [hbm4b:s0+s3], $0x200, $0x38;
	[tilespmem:$0x10400] =	vst v63  }
0x37: {  	s0 =	simm.s32 @!p0 $0x6  }
0x38: {  	[hbm4b:s10+s16] =	stream.strided.scatter [tilespmem:s14], [sflag:$0x5], $0x8000, s13, s16, $0x38;
	[tilespmem:$0x10400] =	vst v63  }
0x39: {  	_ =	swait.ge @!p0 [sflag:s0], $0x8000  }
0x3a: {  	[sflag:s0] =	ssyncset.done @!p0 $0x0  }
0x3b: {  	[sflag:s0] =	ssyncadd.s32 @!p0 $0xFFFF8000  }
0x3c: {  	_ =	swait.ge [sflag:s17], $0x200  }
0x3d: {  	[sflag:s17] =	ssyncset.done $0x0  }
0x3e: {  	s6 =	rddreg [dreg:$0x8];
	[sflag:s17] =	ssyncadd.s32 $0xFFFFFE00  }
0x3f: {  	[tilespmem:s18], [sflag:$0x4] =	stream.indirect.gather [hbm4b:s4+s13], $0x40, s11, s13, $0xb8;
	[tilespmem:$0x10400] =	vst v63  }
0x40: {  	s8 =	rddreg [dreg:$0x9]  }
0x41: {  	[tilespmem:s8], [sflag:$0x4] =	stream.indirect.gather [hbm4b:s4+s13], $0x40, s6, s13, $0xb8;
	[tilespmem:$0x10400] =	vst v63  }
0x42: {  	s28 =	rddreg [dreg:$0xa]  }
0x43: {  	[tilespmem:s19], [sflag:$0x4] =	stream.indirect.gather [hbm4b:s4+s13], $0x40, s28, s13, $0xb8;
	[tilespmem:$0x10400] =	vst v63  }
0x44: {  	_ = 	snop  }
0x45: {  	[tilespmem:s21], [sflag:$0x4] =	stream.indirect.gather [hbm4b:s4+s13], $0x40, s20, s13, $0xb8;
	[tilespmem:$0x10400] =	vst v63  }
0x46: {  	_ =	swait.ge [sflag:s22], $0x2000  }
0x47: {  	[sflag:s22] =	ssyncset.done $0x0  }
0x48: {  	[sflag:s22] =	ssyncadd.s32 $0xFFFFE000  }
0x49: {  	_ =	swait.ge [sflag:s22], $0x2000  }
0x4a: {  	[sflag:s22] =	ssyncset.done $0x0  }
0x4b: {  	[sflag:s22] =	ssyncadd.s32 $0xFFFFE000  }
0x4c: {  	p6 =	por $0x0, $0x0;
	s30 =	simm.s32 $0xE00;
	_ =	swait.ge [sflag:s22], $0x2000  }
0x4d: {  	s31 =	smov.u32 s9;
	s0 =	simm.s32 $0x600;
	[sflag:s22] =	ssyncset.done $0x0  }
0x4e: {  	s26 =	sadd.s32 $0x4000, s9;
	s0 =	simm.s32 @p1 $0x200;
	[sflag:s22] =	ssyncadd.s32 $0xFFFFE000  }
0x4f: {  	s29 =	sadd.s32 $0x4000, s10;
	s0 =	sadd.s32 s7, s0;
	_ =	swait.ge [sflag:s22], $0x2000  }
0x50: {  	p0 =	por p6, p6;
	s0 =	sshrl.u32 s0, $0x3;
	[sflag:s22] =	ssyncset.done $0x0  }
0x51: {  	s0 =	sadd.s32 s2, s0;
	s28 =	simm.s32 $0xA00;
	[sflag:s22] =	ssyncadd.s32 $0xFFFFE000  }
0x52: {  	[tilespmem:s11], [sflag:$0x2] =	stream.linear.gather [hbm4b:s0+s3], $0x200, $0x38;
	[tilespmem:$0x10400] =	vst v63  }
.LBB2_2:
0x53: {  	s1 =	simm.s32 @!p0 $0x5  }
0x54: {  	[hbm4b:s31+s16] =	stream.strided.scatter [tilespmem:s18], [sflag:$0x6], $0x8000, s13, s16, $0x38;
	[tilespmem:$0x10400] =	vst v63  }
0x55: {  	_ =	swait.ge @!p0 [sflag:s1], $0x8000  }
0x56: {  	[sflag:s1] =	ssyncset.done @!p0 $0x0  }
0x57: {  	[sflag:s1] =	ssyncadd.s32 @!p0 $0xFFFF8000  }
0x58: {  	_ =	swait.ge [sflag:s12], $0x200  }
0x59: {  	[sflag:s12] =	ssyncset.done $0x0;
	s1 =	rddreg [dreg:$0x4]  }
0x5a: {  	s6 =	rddreg [dreg:$0x3];
	[sflag:s12] =	ssyncadd.s32 $0xFFFFFE00  }
0x5b: {  	[tilespmem:s14], [sflag:$0x3] =	stream.indirect.gather [hbm4b:s4+s13], $0x40, s3, s13, $0xb8;
	[tilespmem:$0x10400] =	vst v63  }
0x5c: {  	s8 =	rddreg [dreg:$0x5]  }
0x5d: {  	[tilespmem:s6], [sflag:$0x3] =	stream.indirect.gather [hbm4b:s4+s13], $0x40, s13, s13, $0xb8;
	[tilespmem:$0x10400] =	vst v63  }
0x5e: {  	s5 =	rddreg [dreg:$0x7]  }
0x5f: {  	[tilespmem:s8], [sflag:$0x3] =	stream.indirect.gather [hbm4b:s4+s13], $0x40, s1, s13, $0xb8;
	[tilespmem:$0x10400] =	vst v63  }
0x60: {  	s6 =	rddreg [dreg:$0x6]  }
0x61: {  	[tilespmem:s5], [sflag:$0x3] =	stream.indirect.gather [hbm4b:s4+s13], $0x40, s6, s13, $0xb8;
	[tilespmem:$0x10400] =	vst v63  }
0x62: {  	_ =	swait.ge [sflag:s15], $0x2000  }
0x63: {  	[sflag:s15] =	ssyncset.done $0x0  }
0x64: {  	[sflag:s15] =	ssyncadd.s32 $0xFFFFE000  }
0x65: {  	_ =	swait.ge [sflag:s15], $0x2000  }
0x66: {  	[sflag:s15] =	ssyncset.done $0x0  }
0x67: {  	[sflag:s15] =	ssyncadd.s32 $0xFFFFE000  }
0x68: {  	_ =	swait.ge [sflag:s15], $0x2000  }
0x69: {  	p3 =	seq.s32 s28, $0x6600;
	s1 =	sadd.s32 $0xFFFFFE00, s28;
	[sflag:s15] =	ssyncset.done $0x0  }
0x6a: {  	s1 =	simm.s32 @p3 $0x0;
	[sflag:s15] =	ssyncadd.s32 $0xFFFFE000  }
0x6b: {  	s1 =	sadd.s32 s7, s1;
	_ =	swait.ge [sflag:s15], $0x2000  }
0x6c: {  	s0 =	smov.u32 s30;
	s1 =	sshrl.u32 s1, $0x3;
	[sflag:s15] =	ssyncset.done $0x0  }
0x6d: {  	s28 =	simm.s32 @p3 $0x200;
	s1 =	sadd.s32 s2, s1;
	[sflag:s15] =	ssyncadd.s32 $0xFFFFE000  }
0x6e: {  	[tilespmem:s3], [sflag:$0x1] =	stream.linear.gather [hbm4b:s1+s3], $0x200, $0x38;
	[tilespmem:$0x10400] =	vst v63  }
0x6f: {  	s8 =	sadd.s32 s7, s28;
	s28 =	smov.u32 s0;
	s0 =	simm.s32 @!p0 $0x6  }
0x70: {  	[hbm4b:s29+s16] =	stream.strided.scatter [tilespmem:s14], [sflag:$0x5], $0x8000, s13, s16, $0x38;
	[tilespmem:$0x10400] =	vst v63  }
0x71: {  	_ =	swait.ge @!p0 [sflag:s0], $0x8000  }
0x72: {  	[sflag:s0] =	ssyncset.done @!p0 $0x0  }
0x73: {  	[sflag:s0] =	ssyncadd.s32 @!p0 $0xFFFF8000  }
0x74: {  	_ =	swait.ge [sflag:s17], $0x200  }
0x75: {  	[sflag:s17] =	ssyncset.done $0x0  }
0x76: {  	s1 =	rddreg [dreg:$0x8];
	[sflag:s17] =	ssyncadd.s32 $0xFFFFFE00  }
0x77: {  	[tilespmem:s18], [sflag:$0x4] =	stream.indirect.gather [hbm4b:s4+s13], $0x40, s11, s13, $0xb8;
	[tilespmem:$0x10400] =	vst v63  }
0x78: {  	s6 =	rddreg [dreg:$0x9]  }
0x79: {  	[tilespmem:s6], [sflag:$0x4] =	stream.indirect.gather [hbm4b:s4+s13], $0x40, s1, s13, $0xb8;
	[tilespmem:$0x10400] =	vst v63  }
0x7a: {  	s5 =	sshrl.u32 s8, $0x3;
	s8 =	rddreg [dreg:$0xa]  }
0x7b: {  	[tilespmem:s19], [sflag:$0x4] =	stream.indirect.gather [hbm4b:s4+s13], $0x40, s8, s13, $0xb8;
	[tilespmem:$0x10400] =	vst v63  }
0x7c: {  	_ = 	snop  }
0x7d: {  	[tilespmem:s21], [sflag:$0x4] =	stream.indirect.gather [hbm4b:s4+s13], $0x40, s20, s13, $0xb8;
	[tilespmem:$0x10400] =	vst v63  }
0x7e: {  	_ =	swait.ge [sflag:s22], $0x2000  }
0x7f: {  	[sflag:s22] =	ssyncset.done $0x0  }
0x80: {  	[sflag:s22] =	ssyncadd.s32 $0xFFFFE000  }
0x81: {  	_ =	swait.ge [sflag:s22], $0x2000  }
0x82: {  	[sflag:s22] =	ssyncset.done $0x0  }
0x83: {  	[sflag:s22] =	ssyncadd.s32 $0xFFFFE000  }
0x84: {  	p2 =	seq.s32 s30, $0x600;
	s30 =	sadd.s32 $0x400, s30;
	_ =	swait.ge [sflag:s22], $0x2000  }
0x85: {  	p1 =	sne.s32 s30, $0x6A00;
	[sflag:s22] =	ssyncset.done $0x0  }
.Ltmp0:
0x86: {  	[sflag:s22] =	ssyncadd.s32 $0xFFFFE000;
	(pc) =	sbr.rel @p1 .LBB2_2-.Ltmp0, $4  }
0x87: {  	s31 =	smov.u32 s26;
	_ =	swait.ge [sflag:s22], $0x2000  }
0x88: {  	s26 =	sadd.s32 $0x4000, s26;
	s29 =	sadd.s32 $0x4000, s29;
	[sflag:s22] =	ssyncset.done $0x0  }
0x89: {  	p0 =	por p2, p2;
	s8 =	sadd.s32 s2, s5;
	[sflag:s22] =	ssyncadd.s32 $0xFFFFE000  }
0x8a: {  	[tilespmem:s11], [sflag:$0x2] =	stream.linear.gather [hbm4b:s8+s3], $0x200, $0x38;
	[tilespmem:$0x10400] =	vst v63  }
0x8b: {  	s0 =	simm.s32 @!p0 $0x5  }
0x8c: {  	[hbm4b:s31+s16] =	stream.strided.scatter [tilespmem:s18], [sflag:$0x6], $0x8000, s13, s16, $0x38;
	[tilespmem:$0x10400] =	vst v63  }
0x8d: {  	_ =	swait.ge @!p0 [sflag:s0], $0x8000  }
0x8e: {  	[sflag:s0] =	ssyncset.done @!p0 $0x0  }
0x8f: {  	[sflag:s0] =	ssyncadd.s32 @!p0 $0xFFFF8000  }
0x90: {  	_ =	swait.ge [sflag:s12], $0x200  }
0x91: {  	s30 =	rddreg [dreg:$0x4];
	[sflag:s12] =	ssyncset.done $0x0  }
0x92: {  	s1 =	rddreg [dreg:$0x3];
	[sflag:s12] =	ssyncadd.s32 $0xFFFFFE00  }
0x93: {  	[tilespmem:s14], [sflag:$0x3] =	stream.indirect.gather [hbm4b:s4+s13], $0x40, s3, s13, $0xb8;
	[tilespmem:$0x10400] =	vst v63  }
0x94: {  	s5 =	rddreg [dreg:$0x5]  }
0x95: {  	[tilespmem:s1], [sflag:$0x3] =	stream.indirect.gather [hbm4b:s4+s13], $0x40, s13, s13, $0xb8;
	[tilespmem:$0x10400] =	vst v63  }
0x96: {  	s6 =	rddreg [dreg:$0x7]  }
0x97: {  	[tilespmem:s5], [sflag:$0x3] =	stream.indirect.gather [hbm4b:s4+s13], $0x40, s30, s13, $0xb8;
	[tilespmem:$0x10400] =	vst v63  }
0x98: {  	s31 =	rddreg [dreg:$0x6]  }
0x99: {  	[tilespmem:s6], [sflag:$0x3] =	stream.indirect.gather [hbm4b:s4+s13], $0x40, s31, s13, $0xb8;
	[tilespmem:$0x10400] =	vst v63  }
0x9a: {  	_ =	swait.ge [sflag:s15], $0x2000  }
0x9b: {  	[sflag:s15] =	ssyncset.done $0x0  }
0x9c: {  	[sflag:s15] =	ssyncadd.s32 $0xFFFFE000  }
0x9d: {  	_ =	swait.ge [sflag:s15], $0x2000  }
0x9e: {  	[sflag:s15] =	ssyncset.done $0x0  }
0x9f: {  	[sflag:s15] =	ssyncadd.s32 $0xFFFFE000  }
0xa0: {  	_ =	swait.ge [sflag:s15], $0x2000  }
0xa1: {  	p1 =	seq.s32 s28, $0x6600;
	s0 =	sadd.s32 $0xFFFFFE00, s28;
	[sflag:s15] =	ssyncset.done $0x0  }
0xa2: {  	s0 =	simm.s32 @p1 $0x0;
	[sflag:s15] =	ssyncadd.s32 $0xFFFFE000  }
0xa3: {  	s0 =	sadd.s32 s7, s0;
	_ =	swait.ge [sflag:s15], $0x2000  }
0xa4: {  	s0 =	sshrl.u32 s0, $0x3;
	[sflag:s15] =	ssyncset.done $0x0  }
0xa5: {  	s0 =	sadd.s32 s2, s0;
	[sflag:s15] =	ssyncadd.s32 $0xFFFFE000  }
0xa6: {  	[tilespmem:s3], [sflag:$0x1] =	stream.linear.gather [hbm4b:s0+s3], $0x200, $0x38;
	[tilespmem:$0x10400] =	vst v63  }
0xa7: {  	s0 =	simm.s32 @!p0 $0x6  }
0xa8: {  	[hbm4b:s29+s16] =	stream.strided.scatter [tilespmem:s14], [sflag:$0x5], $0x8000, s13, s16, $0x38;
	[tilespmem:$0x10400] =	vst v63  }
0xa9: {  	_ =	swait.ge @!p0 [sflag:s0], $0x8000  }
0xaa: {  	[sflag:s0] =	ssyncset.done @!p0 $0x0  }
0xab: {  	[sflag:s0] =	ssyncadd.s32 @!p0 $0xFFFF8000  }
0xac: {  	_ =	swait.ge [sflag:s17], $0x200  }
0xad: {  	[sflag:s17] =	ssyncset.done $0x0  }
0xae: {  	s6 =	rddreg [dreg:$0x8];
	[sflag:s17] =	ssyncadd.s32 $0xFFFFFE00  }
0xaf: {  	[tilespmem:s18], [sflag:$0x4] =	stream.indirect.gather [hbm4b:s4+s13], $0x40, s11, s13, $0xb8;
	[tilespmem:$0x10400] =	vst v63  }
0xb0: {  	s8 =	rddreg [dreg:$0x9]  }
0xb1: {  	[tilespmem:s8], [sflag:$0x4] =	stream.indirect.gather [hbm4b:s4+s13], $0x40, s6, s13, $0xb8;
	[tilespmem:$0x10400] =	vst v63  }
0xb2: {  	s29 =	rddreg [dreg:$0xa]  }
0xb3: {  	[tilespmem:s19], [sflag:$0x4] =	stream.indirect.gather [hbm4b:s4+s13], $0x40, s29, s13, $0xb8;
	[tilespmem:$0x10400] =	vst v63  }
0xb4: {  	_ = 	snop  }
0xb5: {  	[tilespmem:s21], [sflag:$0x4] =	stream.indirect.gather [hbm4b:s4+s13], $0x40, s20, s13, $0xb8;
	[tilespmem:$0x10400] =	vst v63  }
0xb6: {  	_ =	swait.ge [sflag:s22], $0x2000  }
0xb7: {  	[sflag:s22] =	ssyncset.done $0x0  }
0xb8: {  	[sflag:s22] =	ssyncadd.s32 $0xFFFFE000  }
0xb9: {  	_ =	swait.ge [sflag:s22], $0x2000  }
0xba: {  	[sflag:s22] =	ssyncset.done $0x0  }
0xbb: {  	[sflag:s22] =	ssyncadd.s32 $0xFFFFE000  }
0xbc: {  	_ =	swait.ge [sflag:s22], $0x2000  }
0xbd: {  	[sflag:s22] =	ssyncset.done $0x0  }
0xbe: {  	s28 =	simm.s32 @p1 $0x200;
	[sflag:s22] =	ssyncadd.s32 $0xFFFFE000  }
0xbf: {  	s30 =	sadd.s32 s7, s28;
	_ =	swait.ge [sflag:s22], $0x2000  }
0xc0: {  	s0 =	sshrl.u32 s30, $0x3;
	[sflag:s22] =	ssyncset.done $0x0  }
0xc1: {  	s0 =	sadd.s32 s2, s0;
	[sflag:s22] =	ssyncadd.s32 $0xFFFFE000  }
0xc2: {  	[tilespmem:s11], [sflag:$0x2] =	stream.linear.gather [hbm4b:s0+s3], $0x200, $0x38;
	[tilespmem:$0x10400] =	vst v63  }
0xc3: {  	_ = 	snop  }
0xc4: {  	[hbm4b:s26+s16] =	stream.strided.scatter [tilespmem:s18], [sflag:$0x6], $0x8000, s13, s16, $0x38;
	[tilespmem:$0x10400] =	vst v63  }
0xc5: {  	_ =	swait.ge [sflag:s23], $0x8000  }
0xc6: {  	[sflag:s23] =	ssyncset.done $0x0  }
0xc7: {  	[sflag:s23] =	ssyncadd.s32 $0xFFFF8000  }
0xc8: {  	_ =	swait.ge [sflag:s12], $0x200  }
0xc9: {  	[sflag:s12] =	ssyncset.done $0x0  }
0xca: {  	[sflag:s12] =	ssyncadd.s32 $0xFFFFFE00  }
0xcb: {  	_ =	swait.ge [sflag:s24], $0x8000  }
0xcc: {  	[sflag:s24] =	ssyncset.done $0x0  }
0xcd: {  	[sflag:s24] =	ssyncadd.s32 $0xFFFF8000  }
0xce: {  	_ =	swait.ge [sflag:s17], $0x200  }
0xcf: {  	s25 =	sadd.s32 $0x1, s25;
	s31 =	rddreg [dreg:$0xd]  }
0xd0: {  	p0 =	sne.s32 s25, s31  }
.Ltmp1:
0xd1: {  	_ = 	snop;
	(pc) =	sbr.rel @p0 .LBB2_1-.Ltmp1, $3  }
0xd2: {  	_ =	sdelay $0x1  }
0xd3: {  	[sflag:s17] =	ssyncset.done $0x0  }
0xd4: {  	[sflag:s17] =	ssyncadd.s32 $0xFFFFFE00  }
0xd5: {  	_ =	sfence.sel $0x180000  }
0xd6: {  	[bflag:$0x0] =	sbarrier.arrive $0xFFFF  }
0xd7: {  	_ =	strace $0x90000047  }
0xd8: {  	s0 =	stileid.u32;
	[bflag:$0x2] =	sbarrier.arrive $0xFFFF  }
0xd9: {  	p0 =	sne.s32 s0, $0x0;
	s0 =	rddreg [dreg:$0x2]  }
0xda: {  	s0 =	sadd.s32 @!p0 $0x100000, s0  }
0xdb: {  	[sflag:s0] =	ssyncadd.tile.s32 @!p0 $0x1;
	_ =	shalt  }
.Lfunc_end2:
_tile_overlayer_lowered:
.L_overlay_start_2:
0xdc: {  	(tag) =	ssettag $0x2  }
0xdd: {  	s0 =	rddreg [dreg:$0x0];
	s2 =	stileid.u32  }
0xde: {  	s1 =	rddreg [dreg:$0x1];
	p0 =	sne.s32 s2, $0x0  }
0xdf: {  	s3 =	rddreg [dreg:$0x2];
	[bflag:$0x3] =	sbarrier.arrive $0xFFFF;
	s2 =	simm.s32 @!p0 $0x1C07  }
0xe0: {  	[timem:s3], [sflag:s2] =	dma.local @!p0 [hbm:s0], s1  }
0xe1: {  	s0 =	simm.s32 @!p0 $0x7  }
0xe2: {  	_ =	swait.ge @!p0 [sflag:s0], s1  }
0xe3: {  	s1 =	ssub.s32 @!p0 $0x0, s1;
	[sflag:s0] =	ssyncset.done @!p0 $0x0  }
0xe4: {  	[sflag:s0] =	ssyncadd.s32 @!p0 s1  }
0xe5: {  	[bflag:$0x3] =	sbarrier.arrive $0xFFFF  }
0xe6: {  	_ =	shalt  }

// kernel: sparse-core-data-format-call.cloned.1.call-start
scs
called_computation_lowered:
.L_overlay_start_0:
0x0: {  	s2 =	sld [smem:$0x3FD9]  }
0x1: {  	s3 =	sld [smem:$0x3FFE];
	_ =	sdelay $0x1  }
0x2: {  	s1 =	srdreg.scid  }
0x3: {  	s0 =	sand.u32 $0x1, s1  }
0x4: {  	s18 =	sshll.u32 s0, $0xA;
	s2 =	sadd.s32 s3, s2  }
0x5: {  	s2 =	sadd.s32 s2, s18  }
0x6: {  	[smem:$0x3FC6] =	sst s2  }
0x7: {  	_ = 	snop  }
0x8: {  	s2 =	sld [smem:$0x3FD0];
	(tm) =	ssettm $0x1  }
0x9: {  	s19 =	sld [smem:$0x3FFB];
	_ =	sdelay $0x3  }
0xa: {  	_ =	strace s19  }
0xb: {  	s3 =	sld [smem:$0x3FFC];
	_ =	sdelay $0x3  }
0xc: {  	_ =	strace s3  }
0xd: {  	s3 =	sld [smem:$0x3FFD];
	_ =	sdelay $0x3  }
0xe: {  	_ =	strace s3  }
0xf: {  	_ =	strace $0x8FFFFFFF  }
0x10: {  	s20 =	sld [smem:$0x3FDB];
	_ =	sdelay $0x1  }
0x11: {  	s4 =	simm.s32 $_scs_section_size  }
0x12: {  	s5 =	simm.s32 $_size__tile_overlayer_lowered;
	s6 =	simm.s32 $_tile_overlayer_lowered  }
0x13: {  	s23 =	simm.s32 $0x1BFF;
	s22 =	sshll.u32 s6, $0x1;
	s3 =	sadd.s32 s4, s20  }
0x14: {  	s7 =	simm.s32 $0x0;
	s21 =	sshll.u32 s5, $0x1;
	s5 =	sadd.s32 s22, s3  }
0x15: {  	[timem:s7], [sflag:s23] =	dma.local [hbm:s5], s21  }
0x16: {  	_ =	swait.ge [sflag:s23], s21  }
0x17: {  	s4 =	ssub.s32 $0x0, s21;
	[sflag:s23] =	ssyncset.done $0x0  }
0x18: {  	[sflag:s23] =	ssyncadd.s32 s4;
	_ =	sdelay $0x1  }
0x19: {  	s24 =	simm.s32 $0x1B8B  }
0x1a: {  	_ =	swait.ge [sflag:s24], $0x1  }
0x1b: {  	[sflag:s24] =	ssyncset.done $0x0  }
0x1c: {  	s26 =	simm.s32 $0x1B8E;
	s25 =	sld [smem:$0x3FFE];
	[sflag:s24] =	ssyncadd.s32 $0xFFFFFFFF  }
0x1d: {  	s27 =	simm.s32 $execute0_lowered;
	[smem:$0x3FD2] =	sst s26  }
0x1e: {  	s5 =	sshll.u32 s27, $0x1;
	_ =	strace $0x80000049;
	[dreg:$0x1] =	wrdreg $0xFFFFFFFF  }
0x1f: {  	s28 =	simm.s32 $_size_execute0_lowered;
	s3 =	sadd.s32 s3, s5;
	[dreg:$0x0] =	wrdreg $0x0  }
0x20: {  	s5 =	sshll.u32 s28, $0x1;
	[dreg:$0x2] =	wrdreg s3  }
0x21: {  	[dreg:$0x3] =	wrdreg s5  }
0x22: {  	[dreg:$0x4] =	wrdreg $0xC0  }
0x23: {  	_ =	task [dreg:s7], $0x5FFFF  }
0x24: {  	[dreg:$0x1] =	wrdreg $0xFFFFFFFF  }
0x25: {  	[dreg:$0x0] =	wrdreg $0x60  }
0x26: {  	[dreg:$0x2] =	wrdreg s25  }
0x27: {  	[dreg:$0x3] =	wrdreg s2  }
0x28: {  	[dreg:$0x4] =	wrdreg $0x9  }
0x29: {  	_ =	task.clear_ibuf [dreg:s7], $0x5FFFF;
	_ =	strace $0x90000049  }
0x2a: {  	s29 =	simm.s32 $0x9;
	_ =	strace $0x8000004B  }
0x2b: {  	_ =	swait.ge [sflag:s29], $0x1  }
0x2c: {  	[sflag:s29] =	ssyncadd.s32 $0xFFFFFFFF  }
0x2d: {  	_ =	strace $0x9000004B  }
0x2e: {  	_ =	sfence  }
0x2f: {  	s30 =	sld [smem:$0x0];
	_ =	sdelay $0x2  }
0x30: {  	s31 =	sshll.u32 s1, $0xD;
	s1 =	sshrl.u32 s1, $0x2  }
0x31: {  	s3 =	sand.u32 $0x4000, s31;
	s1 =	sadd.s32 s1, s30  }
0x32: {  	s0 =	sor.u32 s3, s0;
	s1 =	sshll.u32 s1, $0x11  }
0x33: {  	s0 =	sor.u32 s1, s0  }
0x34: {  	s0 =	sadd.s32 $0x8F2B, s0  }
0x35: {  	[sflag:s0] =	ssyncadd.remote.s32 $0x1  }
0x36: {  	_ =	sfence.sel $0xFFFF  }
0x37: {  	[dreg:$0x0] =	wrdreg $0xFFFFFFFF;
	(pc) =	sbr.abs _section_cstart, $3  }
0x38: {  	[dreg:$0x1] =	wrdreg $0xFFFFFFFF  }
0x39: {  	_ =	task.clear_ibuf [dreg:s7], $0x2FFFF;
	_ =	strace $0x9FFFFFFF  }
0x3a: {  	(tm) =	ssettm $0x7FFFFFFF  }
0x3b: {  	_ =	shalt  }
tec
execute0_lowered:
.L_overlay_start_1:
0x0: {  	(tag) =	ssettag $0x1  }
0x1: {  	s0 =	srdreg.scid  }
0x2: {  	s1 =	sshll.u32 s0, $0x4  }
0x3: {  	s0 =	stileid.u32;
	s1 =	sand.u32 $0x10, s1  }
0x4: {  	s1 =	sor.u32 s0, s1  }
0x5: {  	s6 =	rddreg [dreg:$0x0];
	s4 =	simm.s32 $0x1;
	s2 =	sshll.u32 s1, $0x7  }
0x6: {  	s7 =	simm.s32 $0x2;
	s12 =	simm.s32 $0x0;
	s1 =	ssub.s32 $0x1000, s2  }
0x7: {  	s8 =	simm.s32 $0x8000;
	s13 =	simm.s32 $0x0;
	s3 =	sand.u32 $0xF80, s1  }
0x8: {  	s9 =	simm.s32 $0x0;
	s5 =	sshrl.u32 s1, $0xC;
	p0 =	sne.s32 s3, $0x0  }
.Ltmp0:
0x9: {  	s1 =	rddreg [dreg:$0x2];
	s4 =	simm.s32 @!p0 $0x0;
	(pc) =	sbr.rel .LBB1_1-.Ltmp0, $4  }
0xa: {  	s11 =	simm.s32 $0x0;
	s3 =	rddreg [dreg:$0x1];
	s5 =	sadd.s32 s4, s5  }
0xb: {  	_ =	strace $0x8000004A;
	s4 =	simm.s32 $0x1;
	s5 =	smul.u32 $0xC8, s5  }
0xc: {  	s6 =	sadd.s32 $0xA00, s6;
	s10 =	smov.u32 s2;
	[sflag:s4] =	ssyncpa.u1 $0x0  }
0xd: {  	p0 =	por $0x0, $0x0;
	[sflag:s7] =	ssyncpa.u1 $0x0;
	s7 =	sor.u32 $0x1, s5  }
.LBB1_4:
0xe: {  	s16 =	sshll.u32 s13, $0x3;
	s17 =	sand.u32 $0x78, s13  }
0xf: {  	s30 =	sand.u32 $0x7E00, s13;
	s12 =	sshll.u32 s12, $0xF;
	s16 =	sand.u32 $0xC00, s16  }
0x10: {  	[tilespmem:s15+$0x810 ss:$0x81] =	vst.msk $0xffff, v2;
	s31 =	sand.u32 $0x7, s13;
	s16 =	sor.u32 s17, s16;
	s17 =	sadd.s32 s3, s30  }
0x11: {  	[tilespmem:s15+$0x1020 ss:$0x81] =	vst.msk $0xffff, v0;
	s13 =	sshll.u32 s31, $0x12;
	s12 =	sadd.s32 s12, s17;
	s16 =	sshrl.u32 s16, $0x3  }
0x12: {  	[tilespmem:s15+$0x0 ss:$0x81] =	vst.msk $0xffff, v1;
	s13 =	sor.u32 $0x400, s13;
	s12 =	sadd.s32 s16, s12  }
0x13: {  	[hbm4b:s12+s13] =	stream.strided.scatter [tilespmem:s14], [sflag:$0x2], $0x2000, s8, s13, $0x20;
	[tilespmem:$0x8080] =	vst v63  }
.LBB1_5:
0x14: {  	s14 =	sadd.s32 $0x1, s9  }
0x15: {  	s12 =	sadd.s32 $0x1000, s10;
	s16 =	smov.u32 s10;
	p2 =	sgt.s32 s14, $0xC7  }
0x16: {  	s16 =	smov.u32 @p2 s12  }
0x17: {  	s14 =	simm.s32 @p2 $0x0;
	p2 =	sgt.s32 s16, $0xFFF  }
0x18: {  	s16 =	smov.u32 @p2 s2;
	p2 =	sne.s32 s11, s7  }
.Ltmp1:
0x19: {  	p1 =	slt.u32 s11, $0x2;
	(pc) =	sbr.rel @!p2 .LBB1_6-.Ltmp1, $4  }
0x1a: {  	s15 =	simm.s32 @!p1 $0x2  }
0x1b: {  	s13 =	smov.u32 s10;
	p0 =	por !p0, !p0;
	_ =	swait.ge @!p1 [sflag:s15], $0x2000  }
0x1c: {  	s12 =	smov.u32 s9;
	[sflag:s15] =	ssyncset.done @!p1 $0x0;
	s9 =	smov.u32 s14  }
0x1d: {  	s11 =	sadd.s32 $0x1, s11;
	[sflag:s15] =	ssyncadd.s32 @!p1 $0xFFFFE000;
	s10 =	smov.u32 s16  }
.LBB1_1:
0x1e: {  	p1 =	sge.u32 s11, s5  }
0x1f: {  	s14 =	sand.u32 @!p1 $0x1FFFFFF, s9  }
0x20: {  	s15 =	smulhi.u32 @!p1 $0x147AE15, s14;
	_ =	sdelay $0x1  }
0x21: {  	s15 =	smul.u32 @!p1 $0xC8, s15  }
0x22: {  	s16 =	sxor.u32 @!p1 $0xFFFFFFFF, s11;
	s17 =	smul.u32 @!p1 $0xC80, s10  }
0x23: {  	s31 =	sadd.s32 $0xFFFFFFFF, s11;
	s16 =	sshll.u32 @!p1 s16, $0xD;
	s14 =	ssub.s32 @!p1 s14, s15  }
0x24: {  	s15 =	sand.u32 @!p1 $0x2000, s16;
	s16 =	sadd.s32 @!p1 s6, s17;
	s14 =	sshll.u32 @!p1 s14, $0x4  }
0x25: {  	s17 =	simm.s32 @!p1 $0x6400;
	s14 =	sadd.s32 @!p1 s14, s16;
	s16 =	simm.s32 @!p1 $0x40  }
0x26: {  	[tilespmem:s15], [sflag:$0x1] =	stream.strided.gather @!p1 [hbm4b:s14+s16], $0x2000, s17, s16, $0x38;
	[tilespmem:$0x8080] =	vst v63  }
0x27: {  	p1 =	sge.u32 s31, s5  }
.Ltmp2:
0x28: {  	_ = 	snop;
	(pc) =	sbr.rel @p1 .LBB1_5-.Ltmp2, $1  }
0x29: {  	_ =	sdelay $0x3  }
0x2a: {  	s14 =	simm.s32 $0x1  }
0x2b: {  	_ =	swait.ge [sflag:s4], $0x2000;
	s14 =	simm.s32 @!p0 $0x0  }
0x2c: {  	[sflag:s4] =	ssyncset.done $0x0;
	s15 =	sshll.u32 s14, $0xD  }
0x2d: {  	[sflag:s4] =	ssyncadd.s32 $0xFFFFE000;
	s18 =	sor.u32 $0x20, s15  }
0x2e: {  	s14 =	smul.u32 $0x8100, s14;
	v3 =	vld [tilespmem:s18+$0x10]  }
0x2f: {  	s30 =	sand.u32 $0x1, s11;
	v2 =	vld [tilespmem:s18+$0xFFFFFFF0]  }
0x30: {  	s15 =	smul.u32 $0x8100, s30;
	s14 =	sshrl.u32 s14, $0x2;
	v0 =	vld [tilespmem:s18+$0x0]  }
0x31: {  	v1 =	vld [tilespmem:s18+$0xFFFFFFE0];
	s16 =	sor.u32 $0x4000, s14  }
0x32: {  	s31 =	sshrl.u32 s15, $0x2;
	s15 =	sadd.s32 $0x0, s16  }
0x33: {  	s17 =	simm.s32 $0x4;
	s18 =	sadd.s32 $0x40, s18;
	s14 =	sor.u32 $0x4000, s31;
	[tilespmem:s15+$0x1830 ss:$0x81] =	vst.msk $0xffff, v3  }
.LBB1_3:
0x34: {  	v3 =	vld [tilespmem:s18+$0x10];
	p1 =	sne.s32 s17, $0x1FC;
	[tilespmem:s15+$0x810 ss:$0x81] =	vst.msk $0xffff, v2;
	s19 =	smov.u32 s17;
	s17 =	sadd.s32 $0x4, s17  }
.Ltmp3:
0x35: {  	v2 =	vld [tilespmem:s18+$0xFFFFFFF0];
	[tilespmem:s15+$0x1020 ss:$0x81] =	vst.msk $0xffff, v0;
	(pc) =	sbr.rel @p1 .LBB1_3-.Ltmp3, $4  }
0x36: {  	v0 =	vld [tilespmem:s18+$0x0];
	[tilespmem:s15+$0x0 ss:$0x81] =	vst.msk $0xffff, v1  }
0x37: {  	s15 =	sshra.s32 s19, $0x2;
	v1 =	vld [tilespmem:s18+$0xFFFFFFE0]  }
0x38: {  	s15 =	sadd.s32 s15, s16  }
0x39: {  	s18 =	sadd.s32 $0x40, s18;
	[tilespmem:s15+$0x1830 ss:$0x81] =	vst.msk $0xffff, v3  }
.Ltmp4:
0x3a: {  	_ = 	snop;
	(pc) =	sbr.rel .LBB1_4-.Ltmp4, $1  }
0x3b: {  	_ =	sdelay $0x3  }
.LBB1_6:
0x3c: {  	_ =	sfence.sel $0x180000  }
0x3d: {  	s2 =	simm.s32 $0x1;
	[bflag:$0x0] =	sbarrier.arrive $0xFFFF  }
0x3e: {  	s31 =	simm.s32 $0x2;
	[sflag:s2] =	ssyncpa.u1 $0x1  }
0x3f: {  	[sflag:s31] =	ssyncpa.u1 $0x1  }
0x40: {  	p0 =	sne.s32 s0, $0x0;
	_ =	strace $0x9000004A  }
0x41: {  	s0 =	sadd.s32 @!p0 $0x100000, s1;
	[bflag:$0x2] =	sbarrier.arrive $0xFFFF  }
0x42: {  	[sflag:s0] =	ssyncadd.tile.s32 @!p0 $0x1;
	_ =	shalt  }
.Lfunc_end1:
_tile_overlayer_lowered:
.L_overlay_start_2:
0x43: {  	(tag) =	ssettag $0x2  }
0x44: {  	s0 =	rddreg [dreg:$0x0];
	s2 =	stileid.u32  }
0x45: {  	s1 =	rddreg [dreg:$0x1];
	p0 =	sne.s32 s2, $0x0  }
0x46: {  	s3 =	rddreg [dreg:$0x2];
	[bflag:$0x3] =	sbarrier.arrive $0xFFFF;
	s2 =	simm.s32 @!p0 $0x1C01  }
0x47: {  	[timem:s3], [sflag:s2] =	dma.local @!p0 [hbm:s0], s1  }
0x48: {  	s0 =	simm.s32 @!p0 $0x1  }
0x49: {  	_ =	swait.ge @!p0 [sflag:s0], s1  }
0x4a: {  	s1 =	ssub.s32 @!p0 $0x0, s1;
	[sflag:s0] =	ssyncset.done @!p0 $0x0  }
0x4b: {  	[sflag:s0] =	ssyncadd.s32 @!p0 s1  }
0x4c: {  	[bflag:$0x3] =	sbarrier.arrive $0xFFFF  }
0x4d: {  	_ =	shalt  }

</sc_bundles>
